<compile_context>
chip_gen: v7x
topology: tpu7x:2x2x1
jax: 0.10.2.dev20260603
libtpu: 0.0.44.dev20260713+nightly
codegen_flags: <defaults>
</compile_context>

<pallas_src>
import functools

import jax
import jax.numpy as jnp
from jax import lax
from jax.experimental import pallas as pl
from jax.experimental.pallas import tpu as pltpu
from jax.experimental.pallas import tpu_sc as plsc

D_EMBED = 512
HIDDEN = D_EMBED * 4
BATCH = 16384
TABLE_ROWS = 1000


_ROW_BLOCK = 200


def _mlp_body(x_ref, w1_ref, b1_ref, w2_ref, b2_ref, o_ref):
    x = x_ref[...]
    h = jnp.dot(x, w1_ref[...], preferred_element_type=jnp.float32)
    h = h + b1_ref[...]
    h = h * jax.nn.sigmoid(h)
    o = jnp.dot(h, w2_ref[...], preferred_element_type=jnp.float32)
    o_ref[...] = o + b2_ref[...]


def _mlp_table(table_p, W1, b1, W2, b2):
    grid = (TABLE_ROWS // _ROW_BLOCK,)
    return pl.pallas_call(
        _mlp_body,
        grid=grid,
        in_specs=[
            pl.BlockSpec((_ROW_BLOCK, D_EMBED), lambda i: (i, 0)),
            pl.BlockSpec((D_EMBED, HIDDEN), lambda i: (0, 0)),
            pl.BlockSpec((1, HIDDEN), lambda i: (0, 0)),
            pl.BlockSpec((HIDDEN, D_EMBED), lambda i: (0, 0)),
            pl.BlockSpec((1, D_EMBED), lambda i: (0, 0)),
        ],
        out_specs=pl.BlockSpec((_ROW_BLOCK, D_EMBED), lambda i: (i, 0)),
        out_shape=jax.ShapeDtypeStruct((TABLE_ROWS, D_EMBED), jnp.float32),
    )(table_p, W1, b1, W2, b2)



_INFO = plsc.get_sparse_core_info()
_NC, _NS = _INFO.num_cores, _INFO.num_subcores
_NW = _NC * _NS
_B_PER_W = BATCH // _NW
_CHUNK = 80
_CHUNKS = tuple((i * _CHUNK, _CHUNK) for i in range(6)) + ((480, 32),)

_SC_MESH = plsc.VectorSubcoreMesh(core_axis_name="c", subcore_axis_name="s")


_NBUF = 3


@functools.partial(
    pl.kernel,
    mesh=_SC_MESH,
    out_type=jax.ShapeDtypeStruct((BATCH, D_EMBED), jnp.float32),
    scratch_types=[
        pltpu.VMEM((_B_PER_W,), jnp.int32),
        pltpu.VMEM((_CHUNK, D_EMBED), jnp.float32),
        pltpu.VMEM((_CHUNK, D_EMBED), jnp.float32),
        pltpu.VMEM((_CHUNK, D_EMBED), jnp.float32),
        pltpu.SemaphoreType.DMA,
        pltpu.SemaphoreType.DMA,
        pltpu.SemaphoreType.DMA,
        pltpu.SemaphoreType.DMA,
        pltpu.SemaphoreType.DMA,
        pltpu.SemaphoreType.DMA,
    ],
)
def _gather(table_hbm, idx_hbm, out_hbm, idx_v, b0, b1, b2, g0, g1, g2, w0, w1, w2):
    wid = lax.axis_index("s") * _NC + lax.axis_index("c")
    base = wid * _B_PER_W
    bufs = (b0, b1, b2)
    gsems = (g0, g1, g2)
    wsems = (w0, w1, w2)

    def gather(c):
        off, sz = _CHUNKS[c]
        return pltpu.async_copy(
            table_hbm.at[idx_v.at[pl.ds(off, sz)]],
            bufs[c % _NBUF].at[pl.ds(0, sz)],
            gsems[c % _NBUF],
        )

    def write(c):
        off, sz = _CHUNKS[c]
        return pltpu.async_copy(
            bufs[c % _NBUF].at[pl.ds(0, sz)],
            out_hbm.at[pl.ds(base + off, sz)],
            wsems[c % _NBUF],
        )

    pltpu.sync_copy(idx_hbm.at[pl.ds(base, _B_PER_W)], idx_v)
    n_ch = len(_CHUNKS)
    gcp = {0: gather(0), 1: gather(1)}
    wcp = {}
    for c in range(n_ch):
        n = c + 2
        if n < n_ch:
            if c >= 1:
                wcp[c - 1].wait()
            gcp[n] = gather(n)
        gcp[c].wait()
        wcp[c] = write(c)
    for c in range(n_ch - 3, n_ch):
        wcp[c].wait()




def kernel(t, table, W1, b1, W2, b2):
    mlp_tab = _mlp_table(
        table, W1, b1.reshape(1, HIDDEN), W2, b2.reshape(1, D_EMBED)
    )
    return _gather(mlp_tab, t)

# --- scband reference (transcript-rebuilt; emitter-appended) ---
"""Pipeline reference for scband-timestep-embedder-66494683676902 (READ-ONLY COPY).

The authoritative reference and input builder live on the scoring server;
editing this copy changes nothing except your own understanding.
"""

import jax, jax.numpy as jnp
import numpy as np
import math

D_EMBED = 512
MAX_T = 1000
MAX_PERIOD = 10000
HIDDEN = D_EMBED * 4
BATCH = 16384


def _build_table():
    half = D_EMBED // 2
    freqs = jnp.exp(-math.log(MAX_PERIOD) * jnp.arange(half, dtype=jnp.float32) / half)
    timesteps = jnp.arange(MAX_T, dtype=jnp.float32)
    angles = timesteps[:, None] * freqs[None, :]
    emb = jnp.zeros((MAX_T, D_EMBED), dtype=jnp.float32)
    emb = emb.at[:, 0::2].set(jnp.sin(angles))
    emb = emb.at[:, 1::2].set(jnp.cos(angles))
    return emb


def setup_inputs(seed: int = 0) -> dict:
    key = jax.random.key(seed)
    k1, k2, k3 = jax.random.split(key, 3)
    t = jax.random.randint(k1, (BATCH,), 0, MAX_T, dtype=jnp.int32)
    table = _build_table()
    # MLP params (Linear(d_embed, hidden), SiLU, Linear(hidden, d_out))
    W1 = jax.random.normal(k2, (D_EMBED, HIDDEN), dtype=jnp.float32) * (1.0 / math.sqrt(D_EMBED))
    b1 = jnp.zeros((HIDDEN,), dtype=jnp.float32)
    W2 = jax.random.normal(k3, (HIDDEN, D_EMBED), dtype=jnp.float32) * (1.0 / math.sqrt(HIDDEN))
    b2 = jnp.zeros((D_EMBED,), dtype=jnp.float32)
    return {"t": t, "table": table, "W1": W1, "b1": b1, "W2": W2, "b2": b2}


def reference(t, table, W1, b1, W2, b2):
    # sinusoidal lookup: embedding_table[t]
    t_embed = jnp.take(table, t, axis=0)
    # MLP: Linear -> SiLU -> Linear
    h = t_embed @ W1 + b1
    h = h * jax.nn.sigmoid(h)  # SiLU
    out = h @ W2 + b2
    return out

if __name__ == "__main__":
    import jax
    _d = setup_inputs()
    print(jax.jit(kernel)(*tuple(_d.values())))

</pallas_src>

<mosaic_0001>
#map = affine_map<(d0, d1) -> (0, 0)>
#map1 = affine_map<(d0, d1) -> (0)>
module attributes {stable_mosaic.version = 14 : i64} {
  func.func @_gather(%arg0: i32, %arg1: i32, %arg2: memref<1000x512xf32, #tpu.memory_space<hbm>>, %arg3: memref<16384xi32, #tpu.memory_space<hbm>>, %arg4: memref<16384x512xf32, #tpu.memory_space<hbm>>, %arg5: memref<512xi32, #tpu.memory_space<vmem>>, %arg6: memref<80x512xf32, #tpu.memory_space<vmem>>, %arg7: memref<80x512xf32, #tpu.memory_space<vmem>>, %arg8: memref<80x512xf32, #tpu.memory_space<vmem>>, %arg9: memref<!tpu.dma_semaphore, #tpu.memory_space<semaphore_mem>>, %arg10: memref<!tpu.dma_semaphore, #tpu.memory_space<semaphore_mem>>, %arg11: memref<!tpu.dma_semaphore, #tpu.memory_space<semaphore_mem>>, %arg12: memref<!tpu.dma_semaphore, #tpu.memory_space<semaphore_mem>>, %arg13: memref<!tpu.dma_semaphore, #tpu.memory_space<semaphore_mem>>, %arg14: memref<!tpu.dma_semaphore, #tpu.memory_space<semaphore_mem>>) attributes {dimension_semantics = [#tpu.dimension_semantics<core_parallel>, #tpu.dimension_semantics<subcore_parallel>], iteration_bounds = array<i64: 2, 16>, scalar_prefetch = 0 : i64, scratch_operands = 10 : i64, tpu.core_type = #tpu.core_type<sc_vector_subcore>, window_params = [{transform_indices = #map}, {transform_indices = #map1}, {transform_indices = #map}]} {
    %mul3A = arith.constant 2 : i32
    %mul3A_0 = arith.muli %arg1, %mul3A : i32
    %add3A = arith.addi %mul3A_0, %arg0 : i32
    %mul3A_1 = arith.constant 512 : i32
    %mul3A_2 = arith.muli %add3A, %mul3A_1 : i32
    "tpu.region"() ({
      %run_scoped3A = tpu.sem_alloc : memref<!tpu.dma_semaphore, #tpu.memory_space<semaphore_mem>>
      %dma_start3A_267 = tpu.memref_slice %arg3[%mul3A_2] : memref<16384xi32, #tpu.memory_space<hbm>> -> memref<512xi32, #tpu.memory_space<hbm>>
      %dma_start3A_268 = tpu.memref_slice %arg3[%mul3A_2] : memref<16384xi32, #tpu.memory_space<hbm>> -> memref<512xi32, #tpu.memory_space<hbm>>
      tpu.enqueue_dma source(%dma_start3A_268 : memref<512xi32, #tpu.memory_space<hbm>>) target(%arg5 : memref<512xi32, #tpu.memory_space<vmem>>) target_semaphore(%run_scoped3A : memref<!tpu.dma_semaphore, #tpu.memory_space<semaphore_mem>>)
      %dma_wait3A_269 = tpu.memref_slice %arg3[%mul3A_2] : memref<16384xi32, #tpu.memory_space<hbm>> -> memref<512xi32, #tpu.memory_space<hbm>>
      %dma_wait3A_270 = tpu.memref_slice %arg3[%mul3A_2] : memref<16384xi32, #tpu.memory_space<hbm>> -> memref<512xi32, #tpu.memory_space<hbm>>
      tpu.wait_dma2 semaphore(%run_scoped3A : memref<!tpu.dma_semaphore, #tpu.memory_space<semaphore_mem>>) src(%dma_wait3A_270 : memref<512xi32, #tpu.memory_space<hbm>>) dst(%arg5 : memref<512xi32, #tpu.memory_space<vmem>>)
      tpu.yield
    }) : () -> ()
    %dma_start3A = arith.constant 0 : i32
    %dma_start3A_3 = arith.constant 0 : i32
    %dma_start3A_4 = tpu.memref_slice %arg6[%dma_start3A, %dma_start3A_3] : memref<80x512xf32, #tpu.memory_space<vmem>> -> memref<80x512xf32, #tpu.memory_space<vmem>>
    %dma_start3A_5 = arith.constant 0 : i32
    %dma_start3A_6 = tpu.memref_slice %arg5[%dma_start3A_5] : memref<512xi32, #tpu.memory_space<vmem>> -> memref<80xi32, #tpu.memory_space<vmem>>
    %dma_start3A_7 = arith.constant 0 : i32
    %dma_start3A_8 = arith.constant 0 : i32
    %dma_start3A_9 = tpu.memref_slice %arg2[%dma_start3A_7, %dma_start3A_8] : memref<1000x512xf32, #tpu.memory_space<hbm>> -> memref<1000x512xf32, #tpu.memory_space<hbm>>
    tpu.enqueue_indirect_dma source(%dma_start3A_9 : memref<1000x512xf32, #tpu.memory_space<hbm>>) target(%dma_start3A_4 : memref<80x512xf32, #tpu.memory_space<vmem>>) offsets(%dma_start3A_6 : memref<80xi32, #tpu.memory_space<vmem>>) semaphore(%arg9 : memref<!tpu.dma_semaphore, #tpu.memory_space<semaphore_mem>>)
    %dma_start3A_10 = arith.constant 0 : i32
    %dma_start3A_11 = arith.constant 0 : i32
    %dma_start3A_12 = tpu.memref_slice %arg7[%dma_start3A_10, %dma_start3A_11] : memref<80x512xf32, #tpu.memory_space<vmem>> -> memref<80x512xf32, #tpu.memory_space<vmem>>
    %dma_start3A_13 = arith.constant 80 : i32
    %dma_start3A_14 = tpu.memref_slice %arg5[%dma_start3A_13] : memref<512xi32, #tpu.memory_space<vmem>> -> memref<80xi32, #tpu.memory_space<vmem>>
    %dma_start3A_15 = arith.constant 0 : i32
    %dma_start3A_16 = arith.constant 0 : i32
    %dma_start3A_17 = tpu.memref_slice %arg2[%dma_start3A_15, %dma_start3A_16] : memref<1000x512xf32, #tpu.memory_space<hbm>> -> memref<1000x512xf32, #tpu.memory_space<hbm>>
    tpu.enqueue_indirect_dma source(%dma_start3A_17 : memref<1000x512xf32, #tpu.memory_space<hbm>>) target(%dma_start3A_12 : memref<80x512xf32, #tpu.memory_space<vmem>>) offsets(%dma_start3A_14 : memref<80xi32, #tpu.memory_space<vmem>>) semaphore(%arg10 : memref<!tpu.dma_semaphore, #tpu.memory_space<semaphore_mem>>)
    %dma_start3A_18 = arith.constant 0 : i32
    %dma_start3A_19 = arith.constant 0 : i32
    %dma_start3A_20 = tpu.memref_slice %arg8[%dma_start3A_18, %dma_start3A_19] : memref<80x512xf32, #tpu.memory_space<vmem>> -> memref<80x512xf32, #tpu.memory_space<vmem>>
    %dma_start3A_21 = arith.constant 160 : i32
    %dma_start3A_22 = tpu.memref_slice %arg5[%dma_start3A_21] : memref<512xi32, #tpu.memory_space<vmem>> -> memref<80xi32, #tpu.memory_space<vmem>>
    %dma_start3A_23 = arith.constant 0 : i32
    %dma_start3A_24 = arith.constant 0 : i32
    %dma_start3A_25 = tpu.memref_slice %arg2[%dma_start3A_23, %dma_start3A_24] : memref<1000x512xf32, #tpu.memory_space<hbm>> -> memref<1000x512xf32, #tpu.memory_space<hbm>>
    tpu.enqueue_indirect_dma source(%dma_start3A_25 : memref<1000x512xf32, #tpu.memory_space<hbm>>) target(%dma_start3A_20 : memref<80x512xf32, #tpu.memory_space<vmem>>) offsets(%dma_start3A_22 : memref<80xi32, #tpu.memory_space<vmem>>) semaphore(%arg11 : memref<!tpu.dma_semaphore, #tpu.memory_space<semaphore_mem>>)
    %dma_wait3A = arith.constant 0 : i32
    %dma_wait3A_26 = arith.constant 0 : i32
    %dma_wait3A_27 = tpu.memref_slice %arg6[%dma_wait3A, %dma_wait3A_26] : memref<80x512xf32, #tpu.memory_space<vmem>> -> memref<80x512xf32, #tpu.memory_space<vmem>>
    %dma_wait3A_28 = arith.constant 0 : i32
    %dma_wait3A_29 = tpu.memref_slice %arg5[%dma_wait3A_28] : memref<512xi32, #tpu.memory_space<vmem>> -> memref<80xi32, #tpu.memory_space<vmem>>
    %dma_wait3A_30 = arith.constant 0 : i32
    %dma_wait3A_31 = arith.constant 0 : i32
    %dma_wait3A_32 = tpu.memref_slice %arg2[%dma_wait3A_30, %dma_wait3A_31] : memref<1000x512xf32, #tpu.memory_space<hbm>> -> memref<1000x512xf32, #tpu.memory_space<hbm>>
    tpu.wait_indirect_dma semaphore(%arg9 : memref<!tpu.dma_semaphore, #tpu.memory_space<semaphore_mem>>) src(%dma_wait3A_32 : memref<1000x512xf32, #tpu.memory_space<hbm>>) dst(%dma_wait3A_27 : memref<80x512xf32, #tpu.memory_space<vmem>>)
    %add3A_33 = arith.constant 0 : i32
    %add3A_34 = arith.addi %mul3A_2, %add3A_33 : i32
    %dma_start3A_35 = arith.constant 0 : i32
    %dma_start3A_36 = arith.constant 0 : i32
    %dma_start3A_37 = tpu.memref_slice %arg6[%dma_start3A_35, %dma_start3A_36] : memref<80x512xf32, #tpu.memory_space<vmem>> -> memref<80x512xf32, #tpu.memory_space<vmem>>
    %dma_start3A_38 = arith.constant 0 : i32
    %dma_start3A_39 = tpu.memref_slice %arg4[%add3A_34, %dma_start3A_38] : memref<16384x512xf32, #tpu.memory_space<hbm>> -> memref<80x512xf32, #tpu.memory_space<hbm>>
    %dma_start3A_40 = arith.constant 0 : i32
    %dma_start3A_41 = tpu.memref_slice %arg4[%add3A_34, %dma_start3A_40] : memref<16384x512xf32, #tpu.memory_space<hbm>> -> memref<80x512xf32, #tpu.memory_space<hbm>>
    %dma_start3A_42 = arith.constant 0 : i32
    %dma_start3A_43 = arith.constant 0 : i32
    %dma_start3A_44 = tpu.memref_slice %arg6[%dma_start3A_42, %dma_start3A_43] : memref<80x512xf32, #tpu.memory_space<vmem>> -> memref<80x512xf32, #tpu.memory_space<vmem>>
    tpu.enqueue_dma source(%dma_start3A_44 : memref<80x512xf32, #tpu.memory_space<vmem>>) target(%dma_start3A_41 : memref<80x512xf32, #tpu.memory_space<hbm>>) target_semaphore(%arg12 : memref<!tpu.dma_semaphore, #tpu.memory_space<semaphore_mem>>)
    %dma_wait3A_45 = arith.constant 0 : i32
    %dma_wait3A_46 = arith.constant 0 : i32
    %dma_wait3A_47 = tpu.memref_slice %arg6[%dma_wait3A_45, %dma_wait3A_46] : memref<80x512xf32, #tpu.memory_space<vmem>> -> memref<80x512xf32, #tpu.memory_space<vmem>>
    %dma_wait3A_48 = arith.constant 0 : i32
    %dma_wait3A_49 = tpu.memref_slice %arg4[%add3A_34, %dma_wait3A_48] : memref<16384x512xf32, #tpu.memory_space<hbm>> -> memref<80x512xf32, #tpu.memory_space<hbm>>
    %dma_wait3A_50 = arith.constant 0 : i32
    %dma_wait3A_51 = tpu.memref_slice %arg4[%add3A_34, %dma_wait3A_50] : memref<16384x512xf32, #tpu.memory_space<hbm>> -> memref<80x512xf32, #tpu.memory_space<hbm>>
    %dma_wait3A_52 = arith.constant 0 : i32
    %dma_wait3A_53 = arith.constant 0 : i32
    %dma_wait3A_54 = tpu.memref_slice %arg6[%dma_wait3A_52, %dma_wait3A_53] : memref<80x512xf32, #tpu.memory_space<vmem>> -> memref<80x512xf32, #tpu.memory_space<vmem>>
    tpu.wait_dma2 semaphore(%arg12 : memref<!tpu.dma_semaphore, #tpu.memory_space<semaphore_mem>>) src(%dma_wait3A_54 : memref<80x512xf32, #tpu.memory_space<vmem>>) dst(%dma_wait3A_51 : memref<80x512xf32, #tpu.memory_space<hbm>>)
    %dma_start3A_55 = arith.constant 0 : i32
    %dma_start3A_56 = arith.constant 0 : i32
    %dma_start3A_57 = tpu.memref_slice %arg6[%dma_start3A_55, %dma_start3A_56] : memref<80x512xf32, #tpu.memory_space<vmem>> -> memref<80x512xf32, #tpu.memory_space<vmem>>
    %dma_start3A_58 = arith.constant 240 : i32
    %dma_start3A_59 = tpu.memref_slice %arg5[%dma_start3A_58] : memref<512xi32, #tpu.memory_space<vmem>> -> memref<80xi32, #tpu.memory_space<vmem>>
    %dma_start3A_60 = arith.constant 0 : i32
    %dma_start3A_61 = arith.constant 0 : i32
    %dma_start3A_62 = tpu.memref_slice %arg2[%dma_start3A_60, %dma_start3A_61] : memref<1000x512xf32, #tpu.memory_space<hbm>> -> memref<1000x512xf32, #tpu.memory_space<hbm>>
    tpu.enqueue_indirect_dma source(%dma_start3A_62 : memref<1000x512xf32, #tpu.memory_space<hbm>>) target(%dma_start3A_57 : memref<80x512xf32, #tpu.memory_space<vmem>>) offsets(%dma_start3A_59 : memref<80xi32, #tpu.memory_space<vmem>>) semaphore(%arg9 : memref<!tpu.dma_semaphore, #tpu.memory_space<semaphore_mem>>)
    %dma_wait3A_63 = arith.constant 0 : i32
    %dma_wait3A_64 = arith.constant 0 : i32
    %dma_wait3A_65 = tpu.memref_slice %arg7[%dma_wait3A_63, %dma_wait3A_64] : memref<80x512xf32, #tpu.memory_space<vmem>> -> memref<80x512xf32, #tpu.memory_space<vmem>>
    %dma_wait3A_66 = arith.constant 80 : i32
    %dma_wait3A_67 = tpu.memref_slice %arg5[%dma_wait3A_66] : memref<512xi32, #tpu.memory_space<vmem>> -> memref<80xi32, #tpu.memory_space<vmem>>
    %dma_wait3A_68 = arith.constant 0 : i32
    %dma_wait3A_69 = arith.constant 0 : i32
    %dma_wait3A_70 = tpu.memref_slice %arg2[%dma_wait3A_68, %dma_wait3A_69] : memref<1000x512xf32, #tpu.memory_space<hbm>> -> memref<1000x512xf32, #tpu.memory_space<hbm>>
    tpu.wait_indirect_dma semaphore(%arg10 : memref<!tpu.dma_semaphore, #tpu.memory_space<semaphore_mem>>) src(%dma_wait3A_70 : memref<1000x512xf32, #tpu.memory_space<hbm>>) dst(%dma_wait3A_65 : memref<80x512xf32, #tpu.memory_space<vmem>>)
    %add3A_71 = arith.constant 80 : i32
    %add3A_72 = arith.addi %mul3A_2, %add3A_71 : i32
    %dma_start3A_73 = arith.constant 0 : i32
    %dma_start3A_74 = arith.constant 0 : i32
    %dma_start3A_75 = tpu.memref_slice %arg7[%dma_start3A_73, %dma_start3A_74] : memref<80x512xf32, #tpu.memory_space<vmem>> -> memref<80x512xf32, #tpu.memory_space<vmem>>
    %dma_start3A_76 = arith.constant 0 : i32
    %dma_start3A_77 = tpu.memref_slice %arg4[%add3A_72, %dma_start3A_76] : memref<16384x512xf32, #tpu.memory_space<hbm>> -> memref<80x512xf32, #tpu.memory_space<hbm>>
    %dma_start3A_78 = arith.constant 0 : i32
    %dma_start3A_79 = tpu.memref_slice %arg4[%add3A_72, %dma_start3A_78] : memref<16384x512xf32, #tpu.memory_space<hbm>> -> memref<80x512xf32, #tpu.memory_space<hbm>>
    %dma_start3A_80 = arith.constant 0 : i32
    %dma_start3A_81 = arith.constant 0 : i32
    %dma_start3A_82 = tpu.memref_slice %arg7[%dma_start3A_80, %dma_start3A_81] : memref<80x512xf32, #tpu.memory_space<vmem>> -> memref<80x512xf32, #tpu.memory_space<vmem>>
    tpu.enqueue_dma source(%dma_start3A_82 : memref<80x512xf32, #tpu.memory_space<vmem>>) target(%dma_start3A_79 : memref<80x512xf32, #tpu.memory_space<hbm>>) target_semaphore(%arg13 : memref<!tpu.dma_semaphore, #tpu.memory_space<semaphore_mem>>)
    %dma_wait3A_83 = arith.constant 0 : i32
    %dma_wait3A_84 = arith.constant 0 : i32
    %dma_wait3A_85 = tpu.memref_slice %arg7[%dma_wait3A_83, %dma_wait3A_84] : memref<80x512xf32, #tpu.memory_space<vmem>> -> memref<80x512xf32, #tpu.memory_space<vmem>>
    %dma_wait3A_86 = arith.constant 0 : i32
    %dma_wait3A_87 = tpu.memref_slice %arg4[%add3A_72, %dma_wait3A_86] : memref<16384x512xf32, #tpu.memory_space<hbm>> -> memref<80x512xf32, #tpu.memory_space<hbm>>
    %dma_wait3A_88 = arith.constant 0 : i32
    %dma_wait3A_89 = tpu.memref_slice %arg4[%add3A_72, %dma_wait3A_88] : memref<16384x512xf32, #tpu.memory_space<hbm>> -> memref<80x512xf32, #tpu.memory_space<hbm>>
    %dma_wait3A_90 = arith.constant 0 : i32
    %dma_wait3A_91 = arith.constant 0 : i32
    %dma_wait3A_92 = tpu.memref_slice %arg7[%dma_wait3A_90, %dma_wait3A_91] : memref<80x512xf32, #tpu.memory_space<vmem>> -> memref<80x512xf32, #tpu.memory_space<vmem>>
    tpu.wait_dma2 semaphore(%arg13 : memref<!tpu.dma_semaphore, #tpu.memory_space<semaphore_mem>>) src(%dma_wait3A_92 : memref<80x512xf32, #tpu.memory_space<vmem>>) dst(%dma_wait3A_89 : memref<80x512xf32, #tpu.memory_space<hbm>>)
    %dma_start3A_93 = arith.constant 0 : i32
    %dma_start3A_94 = arith.constant 0 : i32
    %dma_start3A_95 = tpu.memref_slice %arg7[%dma_start3A_93, %dma_start3A_94] : memref<80x512xf32, #tpu.memory_space<vmem>> -> memref<80x512xf32, #tpu.memory_space<vmem>>
    %dma_start3A_96 = arith.constant 320 : i32
    %dma_start3A_97 = tpu.memref_slice %arg5[%dma_start3A_96] : memref<512xi32, #tpu.memory_space<vmem>> -> memref<80xi32, #tpu.memory_space<vmem>>
    %dma_start3A_98 = arith.constant 0 : i32
    %dma_start3A_99 = arith.constant 0 : i32
    %dma_start3A_100 = tpu.memref_slice %arg2[%dma_start3A_98, %dma_start3A_99] : memref<1000x512xf32, #tpu.memory_space<hbm>> -> memref<1000x512xf32, #tpu.memory_space<hbm>>
    tpu.enqueue_indirect_dma source(%dma_start3A_100 : memref<1000x512xf32, #tpu.memory_space<hbm>>) target(%dma_start3A_95 : memref<80x512xf32, #tpu.memory_space<vmem>>) offsets(%dma_start3A_97 : memref<80xi32, #tpu.memory_space<vmem>>) semaphore(%arg10 : memref<!tpu.dma_semaphore, #tpu.memory_space<semaphore_mem>>)
    %dma_wait3A_101 = arith.constant 0 : i32
    %dma_wait3A_102 = arith.constant 0 : i32
    %dma_wait3A_103 = tpu.memref_slice %arg8[%dma_wait3A_101, %dma_wait3A_102] : memref<80x512xf32, #tpu.memory_space<vmem>> -> memref<80x512xf32, #tpu.memory_space<vmem>>
    %dma_wait3A_104 = arith.constant 160 : i32
    %dma_wait3A_105 = tpu.memref_slice %arg5[%dma_wait3A_104] : memref<512xi32, #tpu.memory_space<vmem>> -> memref<80xi32, #tpu.memory_space<vmem>>
    %dma_wait3A_106 = arith.constant 0 : i32
    %dma_wait3A_107 = arith.constant 0 : i32
    %dma_wait3A_108 = tpu.memref_slice %arg2[%dma_wait3A_106, %dma_wait3A_107] : memref<1000x512xf32, #tpu.memory_space<hbm>> -> memref<1000x512xf32, #tpu.memory_space<hbm>>
    tpu.wait_indirect_dma semaphore(%arg11 : memref<!tpu.dma_semaphore, #tpu.memory_space<semaphore_mem>>) src(%dma_wait3A_108 : memref<1000x512xf32, #tpu.memory_space<hbm>>) dst(%dma_wait3A_103 : memref<80x512xf32, #tpu.memory_space<vmem>>)
    %add3A_109 = arith.constant 160 : i32
    %add3A_110 = arith.addi %mul3A_2, %add3A_109 : i32
    %dma_start3A_111 = arith.constant 0 : i32
    %dma_start3A_112 = arith.constant 0 : i32
    %dma_start3A_113 = tpu.memref_slice %arg8[%dma_start3A_111, %dma_start3A_112] : memref<80x512xf32, #tpu.memory_space<vmem>> -> memref<80x512xf32, #tpu.memory_space<vmem>>
    %dma_start3A_114 = arith.constant 0 : i32
    %dma_start3A_115 = tpu.memref_slice %arg4[%add3A_110, %dma_start3A_114] : memref<16384x512xf32, #tpu.memory_space<hbm>> -> memref<80x512xf32, #tpu.memory_space<hbm>>
    %dma_start3A_116 = arith.constant 0 : i32
    %dma_start3A_117 = tpu.memref_slice %arg4[%add3A_110, %dma_start3A_116] : memref<16384x512xf32, #tpu.memory_space<hbm>> -> memref<80x512xf32, #tpu.memory_space<hbm>>
    %dma_start3A_118 = arith.constant 0 : i32
    %dma_start3A_119 = arith.constant 0 : i32
    %dma_start3A_120 = tpu.memref_slice %arg8[%dma_start3A_118, %dma_start3A_119] : memref<80x512xf32, #tpu.memory_space<vmem>> -> memref<80x512xf32, #tpu.memory_space<vmem>>
    tpu.enqueue_dma source(%dma_start3A_120 : memref<80x512xf32, #tpu.memory_space<vmem>>) target(%dma_start3A_117 : memref<80x512xf32, #tpu.memory_space<hbm>>) target_semaphore(%arg14 : memref<!tpu.dma_semaphore, #tpu.memory_space<semaphore_mem>>)
    %dma_wait3A_121 = arith.constant 0 : i32
    %dma_wait3A_122 = arith.constant 0 : i32
    %dma_wait3A_123 = tpu.memref_slice %arg8[%dma_wait3A_121, %dma_wait3A_122] : memref<80x512xf32, #tpu.memory_space<vmem>> -> memref<80x512xf32, #tpu.memory_space<vmem>>
    %dma_wait3A_124 = arith.constant 0 : i32
    %dma_wait3A_125 = tpu.memref_slice %arg4[%add3A_110, %dma_wait3A_124] : memref<16384x512xf32, #tpu.memory_space<hbm>> -> memref<80x512xf32, #tpu.memory_space<hbm>>
    %dma_wait3A_126 = arith.constant 0 : i32
    %dma_wait3A_127 = tpu.memref_slice %arg4[%add3A_110, %dma_wait3A_126] : memref<16384x512xf32, #tpu.memory_space<hbm>> -> memref<80x512xf32, #tpu.memory_space<hbm>>
    %dma_wait3A_128 = arith.constant 0 : i32
    %dma_wait3A_129 = arith.constant 0 : i32
    %dma_wait3A_130 = tpu.memref_slice %arg8[%dma_wait3A_128, %dma_wait3A_129] : memref<80x512xf32, #tpu.memory_space<vmem>> -> memref<80x512xf32, #tpu.memory_space<vmem>>
    tpu.wait_dma2 semaphore(%arg14 : memref<!tpu.dma_semaphore, #tpu.memory_space<semaphore_mem>>) src(%dma_wait3A_130 : memref<80x512xf32, #tpu.memory_space<vmem>>) dst(%dma_wait3A_127 : memref<80x512xf32, #tpu.memory_space<hbm>>)
    %dma_start3A_131 = arith.constant 0 : i32
    %dma_start3A_132 = arith.constant 0 : i32
    %dma_start3A_133 = tpu.memref_slice %arg8[%dma_start3A_131, %dma_start3A_132] : memref<80x512xf32, #tpu.memory_space<vmem>> -> memref<80x512xf32, #tpu.memory_space<vmem>>
    %dma_start3A_134 = arith.constant 400 : i32
    %dma_start3A_135 = tpu.memref_slice %arg5[%dma_start3A_134] : memref<512xi32, #tpu.memory_space<vmem>> -> memref<80xi32, #tpu.memory_space<vmem>>
    %dma_start3A_136 = arith.constant 0 : i32
    %dma_start3A_137 = arith.constant 0 : i32
    %dma_start3A_138 = tpu.memref_slice %arg2[%dma_start3A_136, %dma_start3A_137] : memref<1000x512xf32, #tpu.memory_space<hbm>> -> memref<1000x512xf32, #tpu.memory_space<hbm>>
    tpu.enqueue_indirect_dma source(%dma_start3A_138 : memref<1000x512xf32, #tpu.memory_space<hbm>>) target(%dma_start3A_133 : memref<80x512xf32, #tpu.memory_space<vmem>>) offsets(%dma_start3A_135 : memref<80xi32, #tpu.memory_space<vmem>>) semaphore(%arg11 : memref<!tpu.dma_semaphore, #tpu.memory_space<semaphore_mem>>)
    %dma_wait3A_139 = arith.constant 0 : i32
    %dma_wait3A_140 = arith.constant 0 : i32
    %dma_wait3A_141 = tpu.memref_slice %arg6[%dma_wait3A_139, %dma_wait3A_140] : memref<80x512xf32, #tpu.memory_space<vmem>> -> memref<80x512xf32, #tpu.memory_space<vmem>>
    %dma_wait3A_142 = arith.constant 240 : i32
    %dma_wait3A_143 = tpu.memref_slice %arg5[%dma_wait3A_142] : memref<512xi32, #tpu.memory_space<vmem>> -> memref<80xi32, #tpu.memory_space<vmem>>
    %dma_wait3A_144 = arith.constant 0 : i32
    %dma_wait3A_145 = arith.constant 0 : i32
    %dma_wait3A_146 = tpu.memref_slice %arg2[%dma_wait3A_144, %dma_wait3A_145] : memref<1000x512xf32, #tpu.memory_space<hbm>> -> memref<1000x512xf32, #tpu.memory_space<hbm>>
    tpu.wait_indirect_dma semaphore(%arg9 : memref<!tpu.dma_semaphore, #tpu.memory_space<semaphore_mem>>) src(%dma_wait3A_146 : memref<1000x512xf32, #tpu.memory_space<hbm>>) dst(%dma_wait3A_141 : memref<80x512xf32, #tpu.memory_space<vmem>>)
    %add3A_147 = arith.constant 240 : i32
    %add3A_148 = arith.addi %mul3A_2, %add3A_147 : i32
    %dma_start3A_149 = arith.constant 0 : i32
    %dma_start3A_150 = arith.constant 0 : i32
    %dma_start3A_151 = tpu.memref_slice %arg6[%dma_start3A_149, %dma_start3A_150] : memref<80x512xf32, #tpu.memory_space<vmem>> -> memref<80x512xf32, #tpu.memory_space<vmem>>
    %dma_start3A_152 = arith.constant 0 : i32
    %dma_start3A_153 = tpu.memref_slice %arg4[%add3A_148, %dma_start3A_152] : memref<16384x512xf32, #tpu.memory_space<hbm>> -> memref<80x512xf32, #tpu.memory_space<hbm>>
    %dma_start3A_154 = arith.constant 0 : i32
    %dma_start3A_155 = tpu.memref_slice %arg4[%add3A_148, %dma_start3A_154] : memref<16384x512xf32, #tpu.memory_space<hbm>> -> memref<80x512xf32, #tpu.memory_space<hbm>>
    %dma_start3A_156 = arith.constant 0 : i32
    %dma_start3A_157 = arith.constant 0 : i32
    %dma_start3A_158 = tpu.memref_slice %arg6[%dma_start3A_156, %dma_start3A_157] : memref<80x512xf32, #tpu.memory_space<vmem>> -> memref<80x512xf32, #tpu.memory_space<vmem>>
    tpu.enqueue_dma source(%dma_start3A_158 : memref<80x512xf32, #tpu.memory_space<vmem>>) target(%dma_start3A_155 : memref<80x512xf32, #tpu.memory_space<hbm>>) target_semaphore(%arg12 : memref<!tpu.dma_semaphore, #tpu.memory_space<semaphore_mem>>)
    %dma_wait3A_159 = arith.constant 0 : i32
    %dma_wait3A_160 = arith.constant 0 : i32
    %dma_wait3A_161 = tpu.memref_slice %arg6[%dma_wait3A_159, %dma_wait3A_160] : memref<80x512xf32, #tpu.memory_space<vmem>> -> memref<80x512xf32, #tpu.memory_space<vmem>>
    %dma_wait3A_162 = arith.constant 0 : i32
    %dma_wait3A_163 = tpu.memref_slice %arg4[%add3A_148, %dma_wait3A_162] : memref<16384x512xf32, #tpu.memory_space<hbm>> -> memref<80x512xf32, #tpu.memory_space<hbm>>
    %dma_wait3A_164 = arith.constant 0 : i32
    %dma_wait3A_165 = tpu.memref_slice %arg4[%add3A_148, %dma_wait3A_164] : memref<16384x512xf32, #tpu.memory_space<hbm>> -> memref<80x512xf32, #tpu.memory_space<hbm>>
    %dma_wait3A_166 = arith.constant 0 : i32
    %dma_wait3A_167 = arith.constant 0 : i32
    %dma_wait3A_168 = tpu.memref_slice %arg6[%dma_wait3A_166, %dma_wait3A_167] : memref<80x512xf32, #tpu.memory_space<vmem>> -> memref<80x512xf32, #tpu.memory_space<vmem>>
    tpu.wait_dma2 semaphore(%arg12 : memref<!tpu.dma_semaphore, #tpu.memory_space<semaphore_mem>>) src(%dma_wait3A_168 : memref<80x512xf32, #tpu.memory_space<vmem>>) dst(%dma_wait3A_165 : memref<80x512xf32, #tpu.memory_space<hbm>>)
    %dma_start3A_169 = arith.constant 0 : i32
    %dma_start3A_170 = arith.constant 0 : i32
    %dma_start3A_171 = tpu.memref_slice %arg6[%dma_start3A_169, %dma_start3A_170] : memref<80x512xf32, #tpu.memory_space<vmem>> -> memref<32x512xf32, #tpu.memory_space<vmem>>
    %dma_start3A_172 = arith.constant 480 : i32
    %dma_start3A_173 = tpu.memref_slice %arg5[%dma_start3A_172] : memref<512xi32, #tpu.memory_space<vmem>> -> memref<32xi32, #tpu.memory_space<vmem>>
    %dma_start3A_174 = arith.constant 0 : i32
    %dma_start3A_175 = arith.constant 0 : i32
    %dma_start3A_176 = tpu.memref_slice %arg2[%dma_start3A_174, %dma_start3A_175] : memref<1000x512xf32, #tpu.memory_space<hbm>> -> memref<1000x512xf32, #tpu.memory_space<hbm>>
    tpu.enqueue_indirect_dma source(%dma_start3A_176 : memref<1000x512xf32, #tpu.memory_space<hbm>>) target(%dma_start3A_171 : memref<32x512xf32, #tpu.memory_space<vmem>>) offsets(%dma_start3A_173 : memref<32xi32, #tpu.memory_space<vmem>>) semaphore(%arg9 : memref<!tpu.dma_semaphore, #tpu.memory_space<semaphore_mem>>)
    %dma_wait3A_177 = arith.constant 0 : i32
    %dma_wait3A_178 = arith.constant 0 : i32
    %dma_wait3A_179 = tpu.memref_slice %arg7[%dma_wait3A_177, %dma_wait3A_178] : memref<80x512xf32, #tpu.memory_space<vmem>> -> memref<80x512xf32, #tpu.memory_space<vmem>>
    %dma_wait3A_180 = arith.constant 320 : i32
    %dma_wait3A_181 = tpu.memref_slice %arg5[%dma_wait3A_180] : memref<512xi32, #tpu.memory_space<vmem>> -> memref<80xi32, #tpu.memory_space<vmem>>
    %dma_wait3A_182 = arith.constant 0 : i32
    %dma_wait3A_183 = arith.constant 0 : i32
    %dma_wait3A_184 = tpu.memref_slice %arg2[%dma_wait3A_182, %dma_wait3A_183] : memref<1000x512xf32, #tpu.memory_space<hbm>> -> memref<1000x512xf32, #tpu.memory_space<hbm>>
    tpu.wait_indirect_dma semaphore(%arg10 : memref<!tpu.dma_semaphore, #tpu.memory_space<semaphore_mem>>) src(%dma_wait3A_184 : memref<1000x512xf32, #tpu.memory_space<hbm>>) dst(%dma_wait3A_179 : memref<80x512xf32, #tpu.memory_space<vmem>>)
    %add3A_185 = arith.constant 320 : i32
    %add3A_186 = arith.addi %mul3A_2, %add3A_185 : i32
    %dma_start3A_187 = arith.constant 0 : i32
    %dma_start3A_188 = arith.constant 0 : i32
    %dma_start3A_189 = tpu.memref_slice %arg7[%dma_start3A_187, %dma_start3A_188] : memref<80x512xf32, #tpu.memory_space<vmem>> -> memref<80x512xf32, #tpu.memory_space<vmem>>
    %dma_start3A_190 = arith.constant 0 : i32
    %dma_start3A_191 = tpu.memref_slice %arg4[%add3A_186, %dma_start3A_190] : memref<16384x512xf32, #tpu.memory_space<hbm>> -> memref<80x512xf32, #tpu.memory_space<hbm>>
    %dma_start3A_192 = arith.constant 0 : i32
    %dma_start3A_193 = tpu.memref_slice %arg4[%add3A_186, %dma_start3A_192] : memref<16384x512xf32, #tpu.memory_space<hbm>> -> memref<80x512xf32, #tpu.memory_space<hbm>>
    %dma_start3A_194 = arith.constant 0 : i32
    %dma_start3A_195 = arith.constant 0 : i32
    %dma_start3A_196 = tpu.memref_slice %arg7[%dma_start3A_194, %dma_start3A_195] : memref<80x512xf32, #tpu.memory_space<vmem>> -> memref<80x512xf32, #tpu.memory_space<vmem>>
    tpu.enqueue_dma source(%dma_start3A_196 : memref<80x512xf32, #tpu.memory_space<vmem>>) target(%dma_start3A_193 : memref<80x512xf32, #tpu.memory_space<hbm>>) target_semaphore(%arg13 : memref<!tpu.dma_semaphore, #tpu.memory_space<semaphore_mem>>)
    %dma_wait3A_197 = arith.constant 0 : i32
    %dma_wait3A_198 = arith.constant 0 : i32
    %dma_wait3A_199 = tpu.memref_slice %arg8[%dma_wait3A_197, %dma_wait3A_198] : memref<80x512xf32, #tpu.memory_space<vmem>> -> memref<80x512xf32, #tpu.memory_space<vmem>>
    %dma_wait3A_200 = arith.constant 400 : i32
    %dma_wait3A_201 = tpu.memref_slice %arg5[%dma_wait3A_200] : memref<512xi32, #tpu.memory_space<vmem>> -> memref<80xi32, #tpu.memory_space<vmem>>
    %dma_wait3A_202 = arith.constant 0 : i32
    %dma_wait3A_203 = arith.constant 0 : i32
    %dma_wait3A_204 = tpu.memref_slice %arg2[%dma_wait3A_202, %dma_wait3A_203] : memref<1000x512xf32, #tpu.memory_space<hbm>> -> memref<1000x512xf32, #tpu.memory_space<hbm>>
    tpu.wait_indirect_dma semaphore(%arg11 : memref<!tpu.dma_semaphore, #tpu.memory_space<semaphore_mem>>) src(%dma_wait3A_204 : memref<1000x512xf32, #tpu.memory_space<hbm>>) dst(%dma_wait3A_199 : memref<80x512xf32, #tpu.memory_space<vmem>>)
    %add3A_205 = arith.constant 400 : i32
    %add3A_206 = arith.addi %mul3A_2, %add3A_205 : i32
    %dma_start3A_207 = arith.constant 0 : i32
    %dma_start3A_208 = arith.constant 0 : i32
    %dma_start3A_209 = tpu.memref_slice %arg8[%dma_start3A_207, %dma_start3A_208] : memref<80x512xf32, #tpu.memory_space<vmem>> -> memref<80x512xf32, #tpu.memory_space<vmem>>
    %dma_start3A_210 = arith.constant 0 : i32
    %dma_start3A_211 = tpu.memref_slice %arg4[%add3A_206, %dma_start3A_210] : memref<16384x512xf32, #tpu.memory_space<hbm>> -> memref<80x512xf32, #tpu.memory_space<hbm>>
    %dma_start3A_212 = arith.constant 0 : i32
    %dma_start3A_213 = tpu.memref_slice %arg4[%add3A_206, %dma_start3A_212] : memref<16384x512xf32, #tpu.memory_space<hbm>> -> memref<80x512xf32, #tpu.memory_space<hbm>>
    %dma_start3A_214 = arith.constant 0 : i32
    %dma_start3A_215 = arith.constant 0 : i32
    %dma_start3A_216 = tpu.memref_slice %arg8[%dma_start3A_214, %dma_start3A_215] : memref<80x512xf32, #tpu.memory_space<vmem>> -> memref<80x512xf32, #tpu.memory_space<vmem>>
    tpu.enqueue_dma source(%dma_start3A_216 : memref<80x512xf32, #tpu.memory_space<vmem>>) target(%dma_start3A_213 : memref<80x512xf32, #tpu.memory_space<hbm>>) target_semaphore(%arg14 : memref<!tpu.dma_semaphore, #tpu.memory_space<semaphore_mem>>)
    %dma_wait3A_217 = arith.constant 0 : i32
    %dma_wait3A_218 = arith.constant 0 : i32
    %dma_wait3A_219 = tpu.memref_slice %arg6[%dma_wait3A_217, %dma_wait3A_218] : memref<80x512xf32, #tpu.memory_space<vmem>> -> memref<32x512xf32, #tpu.memory_space<vmem>>
    %dma_wait3A_220 = arith.constant 480 : i32
    %dma_wait3A_221 = tpu.memref_slice %arg5[%dma_wait3A_220] : memref<512xi32, #tpu.memory_space<vmem>> -> memref<32xi32, #tpu.memory_space<vmem>>
    %dma_wait3A_222 = arith.constant 0 : i32
    %dma_wait3A_223 = arith.constant 0 : i32
    %dma_wait3A_224 = tpu.memref_slice %arg2[%dma_wait3A_222, %dma_wait3A_223] : memref<1000x512xf32, #tpu.memory_space<hbm>> -> memref<1000x512xf32, #tpu.memory_space<hbm>>
    tpu.wait_indirect_dma semaphore(%arg9 : memref<!tpu.dma_semaphore, #tpu.memory_space<semaphore_mem>>) src(%dma_wait3A_224 : memref<1000x512xf32, #tpu.memory_space<hbm>>) dst(%dma_wait3A_219 : memref<32x512xf32, #tpu.memory_space<vmem>>)
    %add3A_225 = arith.constant 480 : i32
    %add3A_226 = arith.addi %mul3A_2, %add3A_225 : i32
    %dma_start3A_227 = arith.constant 0 : i32
    %dma_start3A_228 = arith.constant 0 : i32
    %dma_start3A_229 = tpu.memref_slice %arg6[%dma_start3A_227, %dma_start3A_228] : memref<80x512xf32, #tpu.memory_space<vmem>> -> memref<32x512xf32, #tpu.memory_space<vmem>>
    %dma_start3A_230 = arith.constant 0 : i32
    %dma_start3A_231 = tpu.memref_slice %arg4[%add3A_226, %dma_start3A_230] : memref<16384x512xf32, #tpu.memory_space<hbm>> -> memref<32x512xf32, #tpu.memory_space<hbm>>
    %dma_start3A_232 = arith.constant 0 : i32
    %dma_start3A_233 = tpu.memref_slice %arg4[%add3A_226, %dma_start3A_232] : memref<16384x512xf32, #tpu.memory_space<hbm>> -> memref<32x512xf32, #tpu.memory_space<hbm>>
    %dma_start3A_234 = arith.constant 0 : i32
    %dma_start3A_235 = arith.constant 0 : i32
    %dma_start3A_236 = tpu.memref_slice %arg6[%dma_start3A_234, %dma_start3A_235] : memref<80x512xf32, #tpu.memory_space<vmem>> -> memref<32x512xf32, #tpu.memory_space<vmem>>
    tpu.enqueue_dma source(%dma_start3A_236 : memref<32x512xf32, #tpu.memory_space<vmem>>) target(%dma_start3A_233 : memref<32x512xf32, #tpu.memory_space<hbm>>) target_semaphore(%arg12 : memref<!tpu.dma_semaphore, #tpu.memory_space<semaphore_mem>>)
    %dma_wait3A_237 = arith.constant 0 : i32
    %dma_wait3A_238 = arith.constant 0 : i32
    %dma_wait3A_239 = tpu.memref_slice %arg7[%dma_wait3A_237, %dma_wait3A_238] : memref<80x512xf32, #tpu.memory_space<vmem>> -> memref<80x512xf32, #tpu.memory_space<vmem>>
    %dma_wait3A_240 = arith.constant 0 : i32
    %dma_wait3A_241 = tpu.memref_slice %arg4[%add3A_186, %dma_wait3A_240] : memref<16384x512xf32, #tpu.memory_space<hbm>> -> memref<80x512xf32, #tpu.memory_space<hbm>>
    %dma_wait3A_242 = arith.constant 0 : i32
    %dma_wait3A_243 = tpu.memref_slice %arg4[%add3A_186, %dma_wait3A_242] : memref<16384x512xf32, #tpu.memory_space<hbm>> -> memref<80x512xf32, #tpu.memory_space<hbm>>
    %dma_wait3A_244 = arith.constant 0 : i32
    %dma_wait3A_245 = arith.constant 0 : i32
    %dma_wait3A_246 = tpu.memref_slice %arg7[%dma_wait3A_244, %dma_wait3A_245] : memref<80x512xf32, #tpu.memory_space<vmem>> -> memref<80x512xf32, #tpu.memory_space<vmem>>
    tpu.wait_dma2 semaphore(%arg13 : memref<!tpu.dma_semaphore, #tpu.memory_space<semaphore_mem>>) src(%dma_wait3A_246 : memref<80x512xf32, #tpu.memory_space<vmem>>) dst(%dma_wait3A_243 : memref<80x512xf32, #tpu.memory_space<hbm>>)
    %dma_wait3A_247 = arith.constant 0 : i32
    %dma_wait3A_248 = arith.constant 0 : i32
    %dma_wait3A_249 = tpu.memref_slice %arg8[%dma_wait3A_247, %dma_wait3A_248] : memref<80x512xf32, #tpu.memory_space<vmem>> -> memref<80x512xf32, #tpu.memory_space<vmem>>
    %dma_wait3A_250 = arith.constant 0 : i32
    %dma_wait3A_251 = tpu.memref_slice %arg4[%add3A_206, %dma_wait3A_250] : memref<16384x512xf32, #tpu.memory_space<hbm>> -> memref<80x512xf32, #tpu.memory_space<hbm>>
    %dma_wait3A_252 = arith.constant 0 : i32
    %dma_wait3A_253 = tpu.memref_slice %arg4[%add3A_206, %dma_wait3A_252] : memref<16384x512xf32, #tpu.memory_space<hbm>> -> memref<80x512xf32, #tpu.memory_space<hbm>>
    %dma_wait3A_254 = arith.constant 0 : i32
    %dma_wait3A_255 = arith.constant 0 : i32
    %dma_wait3A_256 = tpu.memref_slice %arg8[%dma_wait3A_254, %dma_wait3A_255] : memref<80x512xf32, #tpu.memory_space<vmem>> -> memref<80x512xf32, #tpu.memory_space<vmem>>
    tpu.wait_dma2 semaphore(%arg14 : memref<!tpu.dma_semaphore, #tpu.memory_space<semaphore_mem>>) src(%dma_wait3A_256 : memref<80x512xf32, #tpu.memory_space<vmem>>) dst(%dma_wait3A_253 : memref<80x512xf32, #tpu.memory_space<hbm>>)
    %dma_wait3A_257 = arith.constant 0 : i32
    %dma_wait3A_258 = arith.constant 0 : i32
    %dma_wait3A_259 = tpu.memref_slice %arg6[%dma_wait3A_257, %dma_wait3A_258] : memref<80x512xf32, #tpu.memory_space<vmem>> -> memref<32x512xf32, #tpu.memory_space<vmem>>
    %dma_wait3A_260 = arith.constant 0 : i32
    %dma_wait3A_261 = tpu.memref_slice %arg4[%add3A_226, %dma_wait3A_260] : memref<16384x512xf32, #tpu.memory_space<hbm>> -> memref<32x512xf32, #tpu.memory_space<hbm>>
    %dma_wait3A_262 = arith.constant 0 : i32
    %dma_wait3A_263 = tpu.memref_slice %arg4[%add3A_226, %dma_wait3A_262] : memref<16384x512xf32, #tpu.memory_space<hbm>> -> memref<32x512xf32, #tpu.memory_space<hbm>>
    %dma_wait3A_264 = arith.constant 0 : i32
    %dma_wait3A_265 = arith.constant 0 : i32
    %dma_wait3A_266 = tpu.memref_slice %arg6[%dma_wait3A_264, %dma_wait3A_265] : memref<80x512xf32, #tpu.memory_space<vmem>> -> memref<32x512xf32, #tpu.memory_space<vmem>>
    tpu.wait_dma2 semaphore(%arg12 : memref<!tpu.dma_semaphore, #tpu.memory_space<semaphore_mem>>) src(%dma_wait3A_266 : memref<32x512xf32, #tpu.memory_space<vmem>>) dst(%dma_wait3A_263 : memref<32x512xf32, #tpu.memory_space<hbm>>)
    return
  }
}

module attributes {stable_mosaic.version = 14 : i64} {
  func.func @_mlp_body(%arg0: i32, %arg1: memref<200x512xf32, #tpu.memory_space<vmem>>, %arg2: memref<512x2048xf32, #tpu.memory_space<vmem>>, %arg3: memref<1x2048xf32, #tpu.memory_space<vmem>>, %arg4: memref<2048x512xf32, #tpu.memory_space<vmem>>, %arg5: memref<1x512xf32, #tpu.memory_space<vmem>>, %arg6: memref<200x512xf32, #tpu.memory_space<vmem>>) attributes {dimension_semantics = [#tpu.dimension_semantics<arbitrary>], iteration_bounds = array<i64: 5>, scalar_prefetch = 0 : i64, scratch_operands = 0 : i64, tpu.core_type = #tpu.core_type<tc>, window_params = [{transform_indices = @transform_0, window_bounds = array<i64: 200, 512>}, {pipeline_mode = #tpu.pipeline_mode<synchronous>, transform_indices = @transform_1, window_bounds = array<i64: 512, 2048>}, {pipeline_mode = #tpu.pipeline_mode<synchronous>, transform_indices = @transform_2, window_bounds = array<i64: 1, 2048>}, {pipeline_mode = #tpu.pipeline_mode<synchronous>, transform_indices = @transform_3, window_bounds = array<i64: 2048, 512>}, {pipeline_mode = #tpu.pipeline_mode<synchronous>, transform_indices = @transform_4, window_bounds = array<i64: 1, 512>}, {transform_indices = @transform_5, window_bounds = array<i64: 200, 512>}]} {
    %get3A = arith.constant 0 : index
    %get3A_0 = arith.constant 0 : index
    %get3A_1 = vector.load %arg1[%get3A, %get3A_0] : memref<200x512xf32, #tpu.memory_space<vmem>>, vector<200x512xf32>
    %get3A_2 = arith.constant 0 : index
    %get3A_3 = arith.constant 0 : index
    %get3A_4 = vector.load %arg2[%get3A_2, %get3A_3] : memref<512x2048xf32, #tpu.memory_space<vmem>>, vector<512x2048xf32>
    %dot_general3A = arith.constant dense<0.000000e+00> : vector<200x2048xf32>
    %dot_general3A_5 = tpu.matmul %get3A_1, %get3A_4, %dot_general3A {dimension_numbers = #tpu.dot_dimension_numbers<[1], [0], [0], [1], [0, 0, 1, 1], [], []>, transpose_lhs_hint = false} : vector<200x512xf32>, vector<512x2048xf32>, vector<200x2048xf32> -> vector<200x2048xf32>
    %get3A_6 = arith.constant 0 : index
    %get3A_7 = arith.constant 0 : index
    %get3A_8 = vector.load %arg3[%get3A_6, %get3A_7] : memref<1x2048xf32, #tpu.memory_space<vmem>>, vector<1x2048xf32>
    %add3A = vector.broadcast %get3A_8 : vector<1x2048xf32> to vector<200x2048xf32>
    %add3A_9 = arith.addf %dot_general3A_5, %add3A : vector<200x2048xf32>
    %logistic3A = arith.negf %add3A_9 : vector<200x2048xf32>
    %logistic3A_10 = math.exp %logistic3A : vector<200x2048xf32>
    %logistic3A_11 = arith.constant 1.000000e+00 : f32
    %logistic3A_12 = vector.broadcast %logistic3A_11 : f32 to vector<200x2048xf32>
    %logistic3A_13 = arith.addf %logistic3A_12, %logistic3A_10 : vector<200x2048xf32>
    %logistic3A_14 = arith.divf %logistic3A_12, %logistic3A_13 : vector<200x2048xf32>
    %mul3A = arith.mulf %add3A_9, %logistic3A_14 : vector<200x2048xf32>
    %get3A_15 = arith.constant 0 : index
    %get3A_16 = arith.constant 0 : index
    %get3A_17 = vector.load %arg4[%get3A_15, %get3A_16] : memref<2048x512xf32, #tpu.memory_space<vmem>>, vector<2048x512xf32>
    %dot_general3A_18 = arith.constant dense<0.000000e+00> : vector<200x512xf32>
    %dot_general3A_19 = tpu.matmul %mul3A, %get3A_17, %dot_general3A_18 {dimension_numbers = #tpu.dot_dimension_numbers<[1], [0], [0], [1], [0, 0, 1, 1], [], []>, transpose_lhs_hint = false} : vector<200x2048xf32>, vector<2048x512xf32>, vector<200x512xf32> -> vector<200x512xf32>
    %get3A_20 = arith.constant 0 : index
    %get3A_21 = arith.constant 0 : index
    %get3A_22 = vector.load %arg5[%get3A_20, %get3A_21] : memref<1x512xf32, #tpu.memory_space<vmem>>, vector<1x512xf32>
    %add3A_23 = vector.broadcast %get3A_22 : vector<1x512xf32> to vector<200x512xf32>
    %add3A_24 = arith.addf %dot_general3A_19, %add3A_23 : vector<200x512xf32>
    %swap3A = arith.constant 0 : index
    %swap3A_25 = arith.constant 0 : index
    %swap3A_26 = vector.load %arg6[%swap3A, %swap3A_25] : memref<200x512xf32, #tpu.memory_space<vmem>>, vector<200x512xf32>
    tpu.vector_store %arg6[%swap3A, %swap3A_25], %add3A_24 {strides = array<i32>} : memref<200x512xf32, #tpu.memory_space<vmem>>, vector<200x512xf32>,
    return
  }
  func.func @transform_0(%arg0: i32) -> (i32, i32) {
    %c0_i32 = arith.constant 0 : i32
    %c0_i32_0 = arith.constant 0 : i32
    return %arg0, %c0_i32 : i32, i32
  }
  func.func @transform_1(%arg0: i32) -> (i32, i32) {
    %c0_i32 = arith.constant 0 : i32
    %c0_i32_0 = arith.constant 0 : i32
    %c0_i32_1 = arith.constant 0 : i32
    return %c0_i32, %c0_i32_0 : i32, i32
  }
  func.func @transform_2(%arg0: i32) -> (i32, i32) {
    %c0_i32 = arith.constant 0 : i32
    %c0_i32_0 = arith.constant 0 : i32
    %c0_i32_1 = arith.constant 0 : i32
    return %c0_i32, %c0_i32_0 : i32, i32
  }
  func.func @transform_3(%arg0: i32) -> (i32, i32) {
    %c0_i32 = arith.constant 0 : i32
    %c0_i32_0 = arith.constant 0 : i32
    %c0_i32_1 = arith.constant 0 : i32
    return %c0_i32, %c0_i32_0 : i32, i32
  }
  func.func @transform_4(%arg0: i32) -> (i32, i32) {
    %c0_i32 = arith.constant 0 : i32
    %c0_i32_0 = arith.constant 0 : i32
    %c0_i32_1 = arith.constant 0 : i32
    return %c0_i32, %c0_i32_0 : i32, i32
  }
  func.func @transform_5(%arg0: i32) -> (i32, i32) {
    %c0_i32 = arith.constant 0 : i32
    %c0_i32_0 = arith.constant 0 : i32
    return %arg0, %c0_i32 : i32, i32
  }
}

</mosaic_0001>

<sc_bundles>
// kernel: kernel.4.cloned.1.call-start
scs
__scs_entry_jumppad:
0x0: {  	(pc) =	sbr.rel $0x88, $3  }
0x1: {  	(tag) =	ssettag $0x0;
	lr =	simm.s32 $0x1  }
0x2: {  	[smem:$0x3F9B] =	sst lr;
	_ =	strace $0xD0000000  }
0x3: {  	_ = 	snop  }
0x4: {  	_ = 	snop  }
0x5: {  	_ = 	snop  }
0x6: {  	_ = 	snop  }
0x7: {  	_ = 	snop  }
__scs_overlays_trampoline_lowered:
0x8: {  	[smem:$0x3FAA] =	sst s0  }
0x9: {  	[smem:$0x3FAB] =	sst s1  }
0xa: {  	[smem:$0x3FAC] =	sst s2  }
0xb: {  	[smem:$0x3FAD] =	sst s3  }
0xc: {  	[smem:$0x3FAE] =	sst s4  }
0xd: {  	[smem:$0x3FAF] =	sst s5  }
0xe: {  	[smem:$0x3FB0] =	sst s6  }
0xf: {  	[smem:$0x3FB1] =	sst s7  }
0x10: {  	[smem:$0x3FB2] =	sst s8  }
0x11: {  	[smem:$0x3FB3] =	sst s9;
	s0 =	simm.s32 @!p0 $0x0  }
0x12: {  	s1 =	sld [smem:$0x3F99];
	s0 =	simm.s32 @p0 $0x1  }
0x13: {  	[smem:$0x3FB4] =	sst s0;
	s0 =	simm.s32 @!p1 $0x0  }
0x14: {  	s2 =	sld [smem:$0x3F98];
	s0 =	simm.s32 @p1 $0x1  }
0x15: {  	[smem:$0x3FB5] =	sst s0;
	s0 =	simm.s32 @!p2 $0x0  }
0x16: {  	s3 =	sld [smem:$0x3FDB];
	s0 =	simm.s32 @p2 $0x1  }
0x17: {  	s4 =	simm.s32 $0x1BF5;
	[smem:$0x3FB7] =	sst s0  }
0x18: {  	s0 =	sld [smem:$0x3F9A];
	_ =	swait.ge [sflag:s4], $0x0  }
0x19: {  	s7 =	sld [smem:$0x3F9B]  }
0x1a: {  	s8 =	sadd.s32 $0xFFFFE003, lr  }
0x1b: {  	s9 =	sadd.s32 $0xFFFFFEF7, lr;
	s5 =	simm.s32 $0xFFFFFFFF;
	p2 =	slt.u32 s8, $0xFFFFF086  }
0x1c: {  	p1 =	slt.u32 s9, $0xF7A;
	s5 =	simm.s32 @!p2 $0x0  }
0x1d: {  	s5 =	simm.s32 @p1 $0x1;
	p0 =	seq.s32 s7, s2  }
0x1e: {  	s7 =	smul.u32 @!p0 $0xF7A, s2;
	p2 =	seq.s32 @!p0 s5, $0x0  }
0x1f: {  	s9 =	smul.u32 $0xF7A, s1;
	s8 =	simm.s32 @!p0 $0x1BF5;
	p2 =	por !p2, p0  }
0x20: {  	[sflag:s8] =	ssyncset.s32 @!p0 $0xFFFFF086;
	s6 =	sadd.s32 @!p0 s3, s7;
	s7 =	simm.s32 @!p0 $0x108  }
0x21: {  	s3 =	sadd.s32 s3, s9;
	s6 =	sadd.s32 @!p0 $0x88, s6;
	s7 =	simm.s32 @p2 $0x1082  }
0x22: {  	[simem:s7], [sflag:s8] =	dma.local @!p0 [hbm:s6], $0xF7A  }
0x23: {  	s9 =	sor.u32 $0xD0000000, s2;
	s6 =	simm.s32 $0x108;
	_ =	swait.ge @!p0 [sflag:s8], $0x0  }
0x24: {  	s3 =	sadd.s32 $0x88, s3;
	s6 =	simm.s32 @!p1 $0x1082;
	[sflag:s4] =	ssyncset.s32 $0xFFFFF086  }
0x25: {  	[simem:s6], [sflag:s4] =	dma.local [hbm:s3], $0xF7A  }
0x26: {  	[smem:$0x3F9B] =	sst s1;
	(tag) =	ssettag s2;
	_ =	strace s9  }
0x27: {  	s1 =	sld [smem:$0x3FAB]  }
0x28: {  	s2 =	sld [smem:$0x3FAC]  }
0x29: {  	s4 =	sld [smem:$0x3FAE]  }
0x2a: {  	p0 =	seq.s32 s5, $0x0;
	s5 =	sld [smem:$0x3FAF]  }
0x2b: {  	s6 =	sld [smem:$0x3FB0]  }
0x2c: {  	s7 =	sld [smem:$0x3FB1]  }
0x2d: {  	s3 =	simm.s32 $0x108;
	s8 =	sld [smem:$0x3FB2]  }
0x2e: {  	s3 =	simm.s32 @!p0 $0x1082;
	s9 =	sld [smem:$0x3FB3]  }
0x2f: {  	lr =	sadd.s32 s0, s3;
	s0 =	sld [smem:$0x3FAA]  }
0x30: {  	s3 =	sld [smem:$0x3FAD]  }
0x31: {  	[smem:$0x3FB6] =	sst s10  }
0x32: {  	s10 =	sld [smem:$0x3FB4];
	_ =	sdelay $0x3  }
0x33: {  	p0 =	seq.s32 s10, $0x1;
	s10 =	sld [smem:$0x3FB6];
	_ =	sdelay $0x3  }
0x34: {  	[smem:$0x3FB6] =	sst s10  }
0x35: {  	s10 =	sld [smem:$0x3FB5];
	_ =	sdelay $0x3  }
0x36: {  	p1 =	seq.s32 s10, $0x1;
	s10 =	sld [smem:$0x3FB6];
	_ =	sdelay $0x3  }
0x37: {  	[smem:$0x3FB6] =	sst s10  }
0x38: {  	s10 =	sld [smem:$0x3FB7]  }
0x39: {  	_ = 	snop;
	(pc) =	sbr.ind lr, $3  }
0x3a: {  	_ = 	snop  }
0x3b: {  	_ = 	snop  }
0x3c: {  	p2 =	seq.s32 s10, $0x1;
	s10 =	sld [smem:$0x3FB6]  }
0x3d: {  	_ =	shalt  }
0x3e: {  	_ =	shalt  }
0x3f: {  	_ =	shalt  }
0x40: {  	_ =	shalt  }
0x41: {  	_ =	shalt  }
0x42: {  	_ =	shalt  }
0x43: {  	_ =	shalt  }
0x44: {  	_ =	shalt  }
0x45: {  	_ =	shalt  }
0x46: {  	_ =	shalt  }
0x47: {  	_ =	shalt  }
0x48: {  	_ =	shalt  }
0x49: {  	_ =	shalt  }
0x4a: {  	_ =	shalt  }
0x4b: {  	_ =	shalt  }
0x4c: {  	_ =	shalt  }
0x4d: {  	_ =	shalt  }
0x4e: {  	_ =	shalt  }
0x4f: {  	_ =	shalt  }
0x50: {  	_ =	shalt  }
0x51: {  	_ =	shalt  }
0x52: {  	_ =	shalt  }
0x53: {  	_ =	shalt  }
0x54: {  	_ =	shalt  }
0x55: {  	_ =	shalt  }
0x56: {  	_ =	shalt  }
0x57: {  	_ =	shalt  }
0x58: {  	_ =	shalt  }
0x59: {  	_ =	shalt  }
0x5a: {  	_ =	shalt  }
0x5b: {  	_ =	shalt  }
0x5c: {  	_ =	shalt  }
0x5d: {  	_ =	shalt  }
0x5e: {  	_ =	shalt  }
0x5f: {  	_ =	shalt  }
0x60: {  	_ =	shalt  }
0x61: {  	_ =	shalt  }
0x62: {  	_ =	shalt  }
0x63: {  	_ =	shalt  }
0x64: {  	_ =	shalt  }
0x65: {  	_ =	shalt  }
0x66: {  	_ =	shalt  }
0x67: {  	_ =	shalt  }
0x68: {  	_ =	shalt  }
0x69: {  	_ =	shalt  }
0x6a: {  	_ =	shalt  }
0x6b: {  	_ =	shalt  }
0x6c: {  	_ =	shalt  }
0x6d: {  	_ =	shalt  }
0x6e: {  	_ =	shalt  }
0x6f: {  	_ =	shalt  }
0x70: {  	_ =	shalt  }
0x71: {  	_ =	shalt  }
0x72: {  	_ =	shalt  }
0x73: {  	_ =	shalt  }
0x74: {  	_ =	shalt  }
0x75: {  	_ =	shalt  }
0x76: {  	_ =	shalt  }
0x77: {  	_ =	shalt  }
0x78: {  	_ =	shalt  }
0x79: {  	_ =	shalt  }
0x7a: {  	_ =	shalt  }
0x7b: {  	_ =	shalt  }
0x7c: {  	_ =	shalt  }
0x7d: {  	_ =	shalt  }
0x7e: {  	_ =	shalt  }
0x7f: {  	_ =	shalt  }
0x80: {  	_ =	shalt  }
0x81: {  	_ =	shalt  }
0x82: {  	_ =	shalt  }
0x83: {  	_ =	shalt  }
0x84: {  	_ =	shalt  }
0x85: {  	_ =	shalt  }
0x86: {  	_ =	shalt  }
0x87: {  	_ =	shalt  }
.Lfunc_end0:
.L_simem_size_0:
called_computation_lowered:
.L_overlay_start_0:
0x88: {  	s2 =	sld [smem:$0x3FD9]  }
0x89: {  	s3 =	sld [smem:$0x3FFE];
	_ =	sdelay $0x1  }
0x8a: {  	s1 =	srdreg.scid  }
0x8b: {  	s0 =	sand.u32 $0x1, s1  }
0x8c: {  	s17 =	sshll.u32 s0, $0xA;
	s2 =	sadd.s32 s3, s2  }
0x8d: {  	s2 =	sadd.s32 s2, s17  }
0x8e: {  	[smem:$0x3FC2] =	sst s2  }
0x8f: {  	_ = 	snop  }
0x90: {  	s2 =	sld [smem:$0x3FC9]  }
0x91: {  	s18 =	sld [smem:$0x3FD0];
	(tm) =	ssettm $0x1  }
0x92: {  	s4 =	sld [smem:$0x3FFB];
	_ =	sdelay $0x3  }
0x93: {  	_ =	strace s4  }
0x94: {  	s4 =	sld [smem:$0x3FFC];
	_ =	sdelay $0x3  }
0x95: {  	_ =	strace s4  }
0x96: {  	s4 =	sld [smem:$0x3FFD];
	_ =	sdelay $0x3  }
0x97: {  	_ =	strace s4  }
0x98: {  	_ =	strace $0x8FFFFFFF  }
0x99: {  	s19 =	sld [smem:$0x3FDB];
	_ =	sdelay $0x1  }
0x9a: {  	s5 =	simm.s32 $_scs_section_size  }
0x9b: {  	s6 =	simm.s32 $_size__tile_overlayer_lowered;
	s7 =	simm.s32 $_tile_overlayer_lowered  }
0x9c: {  	s22 =	simm.s32 $0x1BFF;
	s21 =	sshll.u32 s7, $0x1;
	s4 =	sadd.s32 s5, s19  }
0x9d: {  	s8 =	simm.s32 $0x0;
	s20 =	sshll.u32 s6, $0x1;
	s6 =	sadd.s32 s21, s4  }
0x9e: {  	[timem:s8], [sflag:s22] =	dma.local [hbm:s6], s20  }
0x9f: {  	_ =	swait.ge [sflag:s22], s20  }
0xa0: {  	s5 =	ssub.s32 $0x0, s20;
	[sflag:s22] =	ssyncset.done $0x0  }
0xa1: {  	[sflag:s22] =	ssyncadd.s32 s5;
	_ =	sdelay $0x1  }
0xa2: {  	s23 =	simm.s32 $0x1B8B  }
0xa3: {  	_ =	swait.ge [sflag:s23], $0x1  }
0xa4: {  	[sflag:s23] =	ssyncset.done $0x0  }
0xa5: {  	s25 =	simm.s32 $0x1B8E;
	s24 =	sld [smem:$0x3FFE];
	[sflag:s23] =	ssyncadd.s32 $0xFFFFFFFF  }
0xa6: {  	s26 =	simm.s32 $execute0_lowered;
	[smem:$0x3FD2] =	sst s25  }
0xa7: {  	s6 =	sshll.u32 s26, $0x1;
	_ =	strace $0x80000046;
	[dreg:$0x1] =	wrdreg $0xFFFFFFFF  }
0xa8: {  	s28 =	simm.s32 $_size_execute0_lowered;
	s4 =	sadd.s32 s4, s6;
	[dreg:$0x0] =	wrdreg $0x0  }
0xa9: {  	s6 =	sshll.u32 s28, $0x1;
	[dreg:$0x2] =	wrdreg s4  }
0xaa: {  	[dreg:$0x3] =	wrdreg s6  }
0xab: {  	[dreg:$0x4] =	wrdreg $0xC0  }
0xac: {  	_ =	task [dreg:s8], $0x5FFFF  }
0xad: {  	[dreg:$0x1] =	wrdreg $0xFFFFFFFF  }
0xae: {  	[dreg:$0x0] =	wrdreg $0x60  }
0xaf: {  	[dreg:$0x2] =	wrdreg s24  }
0xb0: {  	[dreg:$0x3] =	wrdreg s2  }
0xb1: {  	[dreg:$0x4] =	wrdreg s18  }
0xb2: {  	[dreg:$0x5] =	wrdreg $0x9  }
0xb3: {  	_ =	task.clear_ibuf [dreg:s8], $0x6FFFF;
	_ =	strace $0x90000046  }
0xb4: {  	s29 =	simm.s32 $0x9;
	_ =	strace $0x80000048  }
0xb5: {  	_ =	swait.ge [sflag:s29], $0x1  }
0xb6: {  	[sflag:s29] =	ssyncadd.s32 $0xFFFFFFFF  }
0xb7: {  	_ =	strace $0x90000048  }
0xb8: {  	_ =	sfence  }
0xb9: {  	s30 =	sld [smem:$0x0];
	_ =	sdelay $0x2  }
0xba: {  	s31 =	sshll.u32 s1, $0xD;
	s1 =	sshrl.u32 s1, $0x2  }
0xbb: {  	s3 =	sand.u32 $0x4000, s31;
	s1 =	sadd.s32 s1, s30  }
0xbc: {  	s0 =	sor.u32 s3, s0;
	s1 =	sshll.u32 s1, $0x11  }
0xbd: {  	s0 =	sor.u32 s1, s0  }
0xbe: {  	s0 =	sadd.s32 $0x8F2B, s0  }
0xbf: {  	[sflag:s0] =	ssyncadd.remote.s32 $0x1  }
0xc0: {  	_ =	sfence.sel $0xFFFF  }
0xc1: {  	[dreg:$0x0] =	wrdreg $0xFFFFFFFF;
	(pc) =	sbr.abs _section_cstart, $3  }
0xc2: {  	[dreg:$0x1] =	wrdreg $0xFFFFFFFF  }
0xc3: {  	_ =	task.clear_ibuf [dreg:s8], $0x2FFFF;
	_ =	strace $0x9FFFFFFF  }
0xc4: {  	(tm) =	ssettm $0x7FFFFFFF  }
0xc5: {  	_ =	shalt  }
tec
execute0_lowered:
.L_overlay_start_1:
0x0: {  	(tag) =	ssettag $0x1  }
0x1: {  	s0 =	rddreg [dreg:$0x0];
	s1 =	srdreg.scid  }
0x2: {  	s3 =	rddreg [dreg:$0x1];
	s2 =	stileid.u32  }
0x3: {  	s4 =	rddreg [dreg:$0x2];
	s28 =	simm.s32 $0x4A00;
	s30 =	simm.s32 $0x5200  }
0x4: {  	s31 =	simm.s32 $0x5A00;
	s16 =	simm.s32 $0x6A00;
	s17 =	simm.s32 $0x7200  }
0x5: {  	s18 =	simm.s32 $0x7A00;
	s19 =	simm.s32 $0x8200;
	s11 =	simm.s32 $0xB200  }
0x6: {  	s12 =	simm.s32 $0xBA00;
	s13 =	simm.s32 $0xC200;
	s1 =	sand.u32 $0x1, s1  }
0x7: {  	s14 =	simm.s32 $0xCA00;
	s5 =	sshll.u32 s2, $0xA;
	s6 =	sshll.u32 s1, $0x9  }
0x8: {  	s15 =	simm.s32 $0xD200;
	s2 =	simm.s32 $0x0;
	s5 =	sor.u32 s6, s5  }
0x9: {  	s29 =	simm.s32 $0xDA00;
	[smem:$0x7FF] =	sst s2;
	s6 =	sshrl.u32 s5, $0x3  }
0xa: {  	s1 =	ssub.s32 $0x2, s1;
	s5 =	sshll.u32 s5, $0x6;
	s6 =	sadd.s32 s3, s6  }
0xb: {  	_ =	strace $0x80000047;
	s20 =	sadd.s32 s4, s5;
	[dreg:$0x4] =	wrdreg s6  }
0xc: {  	s23 =	sshrl.u32 s1, $0x1;
	s5 =	sadd.s32 $0x1400, s20;
	[dreg:$0xb] =	wrdreg s20  }
0xd: {  	s1 =	ssub.s32 s1, s23;
	s21 =	sadd.s32 $0x2800, s20;
	[dreg:$0x5] =	wrdreg s5  }
0xe: {  	s23 =	simm.s32 $0xE200;
	s22 =	sadd.s32 $0x3C00, s20;
	[dreg:$0x6] =	wrdreg s21  }
0xf: {  	s4 =	sadd.s32 $0x1000, s0;
	s24 =	sadd.s32 $0x5000, s20;
	[dreg:$0x7] =	wrdreg s22  }
0x10: {  	s25 =	sadd.s32 $0x6400, s20;
	s26 =	sadd.s32 $0x7800, s20;
	[dreg:$0x8] =	wrdreg s24  }
0x11: {  	v2 =	vlaneseq.u32;
	s6 =	smax.u32 s1, $0x1;
	s20 =	simm.s32 $0x1;
	[dreg:$0x9] =	wrdreg s25  }
0x12: {  	vm0 =	vmmov $0xffff;
	v1 =	vshrl.u32 v2, $0x3;
	s5 =	sadd.s32 $0x1100, s0;
	[dreg:$0xa] =	wrdreg s26;
	s21 =	simm.s32 $0x4  }
0x13: {  	v0 =	vand.u32 $0x7, v2;
	v2 =	vor.u32 $0x8, v2;
	v1 =	vmul.u32 $0x8, v1;
	s22 =	simm.s32 $0x200;
	s24 =	simm.s32 $0xEA00;
	s25 =	simm.s32 $0xF200  }
.LBB2_1:
0x14: {  	s26 =	rddreg [dreg:$0x4];
	s1 =	simm.s32 $0x7  }
0x15: {  	[tilespmem:s2], [sflag:$0x7] =	stream.linear.gather [hbm4b:s26+s2], $0x200, $0x38;
	[tilespmem:$0x1E200] =	vst v63  }
0x16: {  	_ =	swait.ge [sflag:s1], $0x200  }
0x17: {  	[sflag:s1] =	ssyncset.done $0x0  }
0x18: {  	[sflag:s1] =	ssyncadd.s32 $0xFFFFFE00  }
0x19: {  	v3 =	vld [tilespmem:$0x0];
	_ =	sdelay $0x4  }
0x1a: {  	v4 =	vshll.u32 v3, $0x2  }
0x1b: {  	v3 =	vand.u32 $0x7, v3;
	v4 =	vand.u32 $0xFFFFFFE0, v4  }
0x1c: {  	v3 =	vor.u32 v3, v4  }
0x1d: {  	v4 =	vperm.xlane v3, v0;
	_ =	sdelay $0x1  }
0x1e: {  	v4 =	vadd.s32 v1, v4;
	_ =	sdelay $0x1  }
0x1f: {  	v3 =	vperm.xlane v3, v2;
	_ =	sdelay $0x1  }
0x20: {  	v3 =	vadd.s32 v1, v3  }
0x21: {  	[tilespmem:s22], [sflag:$0x1] =	stream.indirect_vreg.gather [hbm4b:s4+s2], $0x80, v4, vm0, $0xb8;
	[tilespmem:$0x1E200] =	vst v63  }
0x22: {  	s0 =	simm.s32 $0xA00  }
0x23: {  	[tilespmem:s0], [sflag:$0x1] =	stream.indirect_vreg.gather [hbm4b:s5+s2], $0x80, v4, vm0, $0xb8;
	[tilespmem:$0x1E200] =	vst v63  }
0x24: {  	s26 =	simm.s32 $0x1200  }
0x25: {  	[tilespmem:s26], [sflag:$0x1] =	stream.indirect_vreg.gather [hbm4b:s4+s2], $0x80, v3, vm0, $0xb8;
	[tilespmem:$0x1E200] =	vst v63  }
0x26: {  	s1 =	simm.s32 $0x1A00  }
0x27: {  	[tilespmem:s1], [sflag:$0x1] =	stream.indirect_vreg.gather [hbm4b:s5+s2], $0x80, v3, vm0, $0xb8;
	[tilespmem:$0x1E200] =	vst v63  }
0x28: {  	v3 =	vld [tilespmem:$0x10];
	_ =	sdelay $0x4  }
0x29: {  	v33 =	vshll.u32 v3, $0x2  }
0x2a: {  	v3 =	vand.u32 $0x7, v3;
	v4 =	vand.u32 $0xFFFFFFE0, v33  }
0x2b: {  	v3 =	vor.u32 v3, v4  }
0x2c: {  	v4 =	vperm.xlane v3, v0;
	_ =	sdelay $0x1  }
0x2d: {  	v4 =	vadd.s32 v1, v4;
	_ =	sdelay $0x1  }
0x2e: {  	v3 =	vperm.xlane v3, v2;
	_ =	sdelay $0x1  }
0x2f: {  	s3 =	simm.s32 $0x2200;
	v3 =	vadd.s32 v1, v3  }
0x30: {  	[tilespmem:s3], [sflag:$0x1] =	stream.indirect_vreg.gather [hbm4b:s4+s2], $0x80, v4, vm0, $0xb8;
	[tilespmem:$0x1E200] =	vst v63  }
0x31: {  	s7 =	simm.s32 $0x2A00  }
0x32: {  	[tilespmem:s7], [sflag:$0x1] =	stream.indirect_vreg.gather [hbm4b:s5+s2], $0x80, v4, vm0, $0xb8;
	[tilespmem:$0x1E200] =	vst v63  }
0x33: {  	s8 =	simm.s32 $0x3200  }
0x34: {  	[tilespmem:s8], [sflag:$0x1] =	stream.indirect_vreg.gather [hbm4b:s4+s2], $0x80, v3, vm0, $0xb8;
	[tilespmem:$0x1E200] =	vst v63  }
0x35: {  	s9 =	simm.s32 $0x3A00  }
0x36: {  	[tilespmem:s9], [sflag:$0x1] =	stream.indirect_vreg.gather [hbm4b:s5+s2], $0x80, v3, vm0, $0xb8;
	[tilespmem:$0x1E200] =	vst v63  }
0x37: {  	v3 =	vld [tilespmem:$0x20];
	_ =	sdelay $0x4  }
0x38: {  	v34 =	vshll.u32 v3, $0x2  }
0x39: {  	v3 =	vand.u32 $0x7, v3;
	v4 =	vand.u32 $0xFFFFFFE0, v34  }
0x3a: {  	v3 =	vor.u32 v3, v4  }
0x3b: {  	v4 =	vperm.xlane v3, v0;
	_ =	sdelay $0x1  }
0x3c: {  	v4 =	vadd.s32 v1, v4;
	_ =	sdelay $0x1  }
0x3d: {  	v3 =	vperm.xlane v3, v2;
	_ =	sdelay $0x1  }
0x3e: {  	s26 =	simm.s32 $0x4200;
	v3 =	vadd.s32 v1, v3  }
0x3f: {  	[tilespmem:s26], [sflag:$0x1] =	stream.indirect_vreg.gather [hbm4b:s4+s2], $0x80, v4, vm0, $0xb8;
	[tilespmem:$0x1E200] =	vst v63  }
0x40: {  	_ = 	snop  }
0x41: {  	[tilespmem:s28], [sflag:$0x1] =	stream.indirect_vreg.gather [hbm4b:s5+s2], $0x80, v4, vm0, $0xb8;
	[tilespmem:$0x1E200] =	vst v63  }
0x42: {  	_ = 	snop  }
0x43: {  	[tilespmem:s30], [sflag:$0x1] =	stream.indirect_vreg.gather [hbm4b:s4+s2], $0x80, v3, vm0, $0xb8;
	[tilespmem:$0x1E200] =	vst v63  }
0x44: {  	_ = 	snop  }
0x45: {  	[tilespmem:s31], [sflag:$0x1] =	stream.indirect_vreg.gather [hbm4b:s5+s2], $0x80, v3, vm0, $0xb8;
	[tilespmem:$0x1E200] =	vst v63  }
0x46: {  	v3 =	vld [tilespmem:$0x30];
	_ =	sdelay $0x4  }
0x47: {  	v35 =	vshll.u32 v3, $0x2  }
0x48: {  	v3 =	vand.u32 $0x7, v3;
	v4 =	vand.u32 $0xFFFFFFE0, v35  }
0x49: {  	v3 =	vor.u32 v3, v4  }
0x4a: {  	v4 =	vperm.xlane v3, v0;
	_ =	sdelay $0x1  }
0x4b: {  	v4 =	vadd.s32 v1, v4;
	_ =	sdelay $0x1  }
0x4c: {  	v3 =	vperm.xlane v3, v2;
	_ =	sdelay $0x1  }
0x4d: {  	s1 =	simm.s32 $0x6200;
	v3 =	vadd.s32 v1, v3  }
0x4e: {  	[tilespmem:s1], [sflag:$0x1] =	stream.indirect_vreg.gather [hbm4b:s4+s2], $0x80, v4, vm0, $0xb8;
	[tilespmem:$0x1E200] =	vst v63  }
0x4f: {  	_ = 	snop  }
0x50: {  	[tilespmem:s16], [sflag:$0x1] =	stream.indirect_vreg.gather [hbm4b:s5+s2], $0x80, v4, vm0, $0xb8;
	[tilespmem:$0x1E200] =	vst v63  }
0x51: {  	_ = 	snop  }
0x52: {  	[tilespmem:s17], [sflag:$0x1] =	stream.indirect_vreg.gather [hbm4b:s4+s2], $0x80, v3, vm0, $0xb8;
	[tilespmem:$0x1E200] =	vst v63  }
0x53: {  	_ = 	snop  }
0x54: {  	[tilespmem:s18], [sflag:$0x1] =	stream.indirect_vreg.gather [hbm4b:s5+s2], $0x80, v3, vm0, $0xb8;
	[tilespmem:$0x1E200] =	vst v63  }
0x55: {  	v3 =	vld [tilespmem:$0x40];
	_ =	sdelay $0x4  }
0x56: {  	v36 =	vshll.u32 v3, $0x2  }
0x57: {  	v3 =	vand.u32 $0x7, v3;
	v4 =	vand.u32 $0xFFFFFFE0, v36  }
0x58: {  	v3 =	vor.u32 v3, v4  }
0x59: {  	v4 =	vperm.xlane v3, v0;
	_ =	sdelay $0x1  }
0x5a: {  	v4 =	vadd.s32 v1, v4;
	_ =	sdelay $0x1  }
0x5b: {  	v3 =	vperm.xlane v3, v2;
	_ =	sdelay $0x1  }
0x5c: {  	v3 =	vadd.s32 v1, v3  }
0x5d: {  	[tilespmem:s19], [sflag:$0x1] =	stream.indirect_vreg.gather [hbm4b:s4+s2], $0x80, v4, vm0, $0xb8;
	[tilespmem:$0x1E200] =	vst v63  }
0x5e: {  	s3 =	simm.s32 $0x8A00  }
0x5f: {  	[tilespmem:s3], [sflag:$0x1] =	stream.indirect_vreg.gather [hbm4b:s5+s2], $0x80, v4, vm0, $0xb8;
	[tilespmem:$0x1E200] =	vst v63  }
0x60: {  	s9 =	simm.s32 $0x9200  }
0x61: {  	[tilespmem:s9], [sflag:$0x1] =	stream.indirect_vreg.gather [hbm4b:s4+s2], $0x80, v3, vm0, $0xb8;
	[tilespmem:$0x1E200] =	vst v63  }
0x62: {  	s8 =	simm.s32 $0x9A00  }
0x63: {  	[tilespmem:s8], [sflag:$0x1] =	stream.indirect_vreg.gather [hbm4b:s5+s2], $0x80, v3, vm0, $0xb8;
	[tilespmem:$0x1E200] =	vst v63  }
0x64: {  	v3 =	vld [tilespmem:$0x50];
	_ =	sdelay $0x4  }
0x65: {  	v37 =	vshll.u32 v3, $0x2  }
0x66: {  	v3 =	vand.u32 $0x7, v3;
	v4 =	vand.u32 $0xFFFFFFE0, v37  }
0x67: {  	v3 =	vor.u32 v3, v4  }
0x68: {  	v4 =	vperm.xlane v3, v0;
	_ =	sdelay $0x1  }
0x69: {  	v4 =	vadd.s32 v1, v4;
	_ =	sdelay $0x1  }
0x6a: {  	v3 =	vperm.xlane v3, v2;
	_ =	sdelay $0x1  }
0x6b: {  	s10 =	simm.s32 $0xA200;
	v3 =	vadd.s32 v1, v3  }
0x6c: {  	[tilespmem:s10], [sflag:$0x2] =	stream.indirect_vreg.gather [hbm4b:s4+s2], $0x80, v4, vm0, $0xb8;
	[tilespmem:$0x1E200] =	vst v63  }
0x6d: {  	s10 =	simm.s32 $0xAA00  }
0x6e: {  	[tilespmem:s10], [sflag:$0x2] =	stream.indirect_vreg.gather [hbm4b:s5+s2], $0x80, v4, vm0, $0xb8;
	[tilespmem:$0x1E200] =	vst v63  }
0x6f: {  	_ = 	snop  }
0x70: {  	[tilespmem:s11], [sflag:$0x2] =	stream.indirect_vreg.gather [hbm4b:s4+s2], $0x80, v3, vm0, $0xb8;
	[tilespmem:$0x1E200] =	vst v63  }
0x71: {  	_ = 	snop  }
0x72: {  	[tilespmem:s12], [sflag:$0x2] =	stream.indirect_vreg.gather [hbm4b:s5+s2], $0x80, v3, vm0, $0xb8;
	[tilespmem:$0x1E200] =	vst v63  }
0x73: {  	v3 =	vld [tilespmem:$0x60];
	_ =	sdelay $0x4  }
0x74: {  	v38 =	vshll.u32 v3, $0x2  }
0x75: {  	v3 =	vand.u32 $0x7, v3;
	v4 =	vand.u32 $0xFFFFFFE0, v38  }
0x76: {  	v3 =	vor.u32 v3, v4  }
0x77: {  	v4 =	vperm.xlane v3, v0;
	_ =	sdelay $0x1  }
0x78: {  	v4 =	vadd.s32 v1, v4;
	_ =	sdelay $0x1  }
0x79: {  	v3 =	vperm.xlane v3, v2;
	_ =	sdelay $0x1  }
0x7a: {  	v3 =	vadd.s32 v1, v3  }
0x7b: {  	[tilespmem:s13], [sflag:$0x2] =	stream.indirect_vreg.gather [hbm4b:s4+s2], $0x80, v4, vm0, $0xb8;
	[tilespmem:$0x1E200] =	vst v63  }
0x7c: {  	_ = 	snop  }
0x7d: {  	[tilespmem:s14], [sflag:$0x2] =	stream.indirect_vreg.gather [hbm4b:s5+s2], $0x80, v4, vm0, $0xb8;
	[tilespmem:$0x1E200] =	vst v63  }
0x7e: {  	_ = 	snop  }
0x7f: {  	[tilespmem:s15], [sflag:$0x2] =	stream.indirect_vreg.gather [hbm4b:s4+s2], $0x80, v3, vm0, $0xb8;
	[tilespmem:$0x1E200] =	vst v63  }
0x80: {  	_ = 	snop  }
0x81: {  	[tilespmem:s29], [sflag:$0x2] =	stream.indirect_vreg.gather [hbm4b:s5+s2], $0x80, v3, vm0, $0xb8;
	[tilespmem:$0x1E200] =	vst v63  }
0x82: {  	v3 =	vld [tilespmem:$0x70];
	_ =	sdelay $0x4  }
0x83: {  	v39 =	vshll.u32 v3, $0x2  }
0x84: {  	v3 =	vand.u32 $0x7, v3;
	v4 =	vand.u32 $0xFFFFFFE0, v39  }
0x85: {  	v3 =	vor.u32 v3, v4  }
0x86: {  	v4 =	vperm.xlane v3, v0;
	_ =	sdelay $0x1  }
0x87: {  	v4 =	vadd.s32 v1, v4;
	_ =	sdelay $0x1  }
0x88: {  	v3 =	vperm.xlane v3, v2;
	_ =	sdelay $0x1  }
0x89: {  	v3 =	vadd.s32 v1, v3  }
0x8a: {  	[tilespmem:s23], [sflag:$0x2] =	stream.indirect_vreg.gather [hbm4b:s4+s2], $0x80, v4, vm0, $0xb8;
	[tilespmem:$0x1E200] =	vst v63  }
0x8b: {  	_ = 	snop  }
0x8c: {  	[tilespmem:s24], [sflag:$0x2] =	stream.indirect_vreg.gather [hbm4b:s5+s2], $0x80, v4, vm0, $0xb8;
	[tilespmem:$0x1E200] =	vst v63  }
0x8d: {  	_ = 	snop  }
0x8e: {  	[tilespmem:s25], [sflag:$0x2] =	stream.indirect_vreg.gather [hbm4b:s4+s2], $0x80, v3, vm0, $0xb8;
	[tilespmem:$0x1E200] =	vst v63  }
0x8f: {  	s7 =	simm.s32 $0xFA00  }
0x90: {  	[tilespmem:s7], [sflag:$0x2] =	stream.indirect_vreg.gather [hbm4b:s5+s2], $0x80, v3, vm0, $0xb8;
	[tilespmem:$0x1E200] =	vst v63  }
0x91: {  	v3 =	vld [tilespmem:$0x80];
	_ =	sdelay $0x4  }
0x92: {  	v40 =	vshll.u32 v3, $0x2  }
0x93: {  	v3 =	vand.u32 $0x7, v3;
	v4 =	vand.u32 $0xFFFFFFE0, v40  }
0x94: {  	v3 =	vor.u32 v3, v4  }
0x95: {  	v4 =	vperm.xlane v3, v0;
	_ =	sdelay $0x1  }
0x96: {  	v4 =	vadd.s32 v1, v4;
	_ =	sdelay $0x1  }
0x97: {  	v3 =	vperm.xlane v3, v2;
	_ =	sdelay $0x1  }
0x98: {  	s7 =	simm.s32 $0x10200;
	v3 =	vadd.s32 v1, v3  }
0x99: {  	[tilespmem:s7], [sflag:$0x2] =	stream.indirect_vreg.gather [hbm4b:s4+s2], $0x80, v4, vm0, $0xb8;
	[tilespmem:$0x1E200] =	vst v63  }
0x9a: {  	s7 =	simm.s32 $0x10A00  }
0x9b: {  	[tilespmem:s7], [sflag:$0x2] =	stream.indirect_vreg.gather [hbm4b:s5+s2], $0x80, v4, vm0, $0xb8;
	[tilespmem:$0x1E200] =	vst v63  }
0x9c: {  	s7 =	simm.s32 $0x11200  }
0x9d: {  	[tilespmem:s7], [sflag:$0x2] =	stream.indirect_vreg.gather [hbm4b:s4+s2], $0x80, v3, vm0, $0xb8;
	[tilespmem:$0x1E200] =	vst v63  }
0x9e: {  	s7 =	simm.s32 $0x11A00  }
0x9f: {  	[tilespmem:s7], [sflag:$0x2] =	stream.indirect_vreg.gather [hbm4b:s5+s2], $0x80, v3, vm0, $0xb8;
	[tilespmem:$0x1E200] =	vst v63  }
0xa0: {  	v3 =	vld [tilespmem:$0x90];
	_ =	sdelay $0x4  }
0xa1: {  	v41 =	vshll.u32 v3, $0x2  }
0xa2: {  	v3 =	vand.u32 $0x7, v3;
	v4 =	vand.u32 $0xFFFFFFE0, v41  }
0xa3: {  	v3 =	vor.u32 v3, v4  }
0xa4: {  	v4 =	vperm.xlane v3, v0;
	_ =	sdelay $0x1  }
0xa5: {  	v4 =	vadd.s32 v1, v4;
	_ =	sdelay $0x1  }
0xa6: {  	v3 =	vperm.xlane v3, v2;
	_ =	sdelay $0x1  }
0xa7: {  	s7 =	simm.s32 $0x12200;
	v3 =	vadd.s32 v1, v3  }
0xa8: {  	[tilespmem:s7], [sflag:$0x2] =	stream.indirect_vreg.gather [hbm4b:s4+s2], $0x80, v4, vm0, $0xb8;
	[tilespmem:$0x1E200] =	vst v63  }
0xa9: {  	s7 =	simm.s32 $0x12A00  }
0xaa: {  	[tilespmem:s7], [sflag:$0x2] =	stream.indirect_vreg.gather [hbm4b:s5+s2], $0x80, v4, vm0, $0xb8;
	[tilespmem:$0x1E200] =	vst v63  }
0xab: {  	s7 =	simm.s32 $0x13200  }
0xac: {  	[tilespmem:s7], [sflag:$0x2] =	stream.indirect_vreg.gather [hbm4b:s4+s2], $0x80, v3, vm0, $0xb8;
	[tilespmem:$0x1E200] =	vst v63  }
0xad: {  	s7 =	simm.s32 $0x13A00  }
0xae: {  	[tilespmem:s7], [sflag:$0x2] =	stream.indirect_vreg.gather [hbm4b:s5+s2], $0x80, v3, vm0, $0xb8;
	[tilespmem:$0x1E200] =	vst v63  }
0xaf: {  	v3 =	vld [tilespmem:$0xA0];
	_ =	sdelay $0x4  }
0xb0: {  	v42 =	vshll.u32 v3, $0x2  }
0xb1: {  	v3 =	vand.u32 $0x7, v3;
	v4 =	vand.u32 $0xFFFFFFE0, v42  }
0xb2: {  	v3 =	vor.u32 v3, v4  }
0xb3: {  	v4 =	vperm.xlane v3, v0;
	_ =	sdelay $0x1  }
0xb4: {  	v4 =	vadd.s32 v1, v4;
	_ =	sdelay $0x1  }
0xb5: {  	v3 =	vperm.xlane v3, v2;
	_ =	sdelay $0x1  }
0xb6: {  	s0 =	simm.s32 $0x14200;
	v3 =	vadd.s32 v1, v3  }
0xb7: {  	[tilespmem:s0], [sflag:$0x3] =	stream.indirect_vreg.gather [hbm4b:s4+s2], $0x80, v4, vm0, $0xb8;
	[tilespmem:$0x1E200] =	vst v63  }
0xb8: {  	s7 =	simm.s32 $0x14A00  }
0xb9: {  	[tilespmem:s7], [sflag:$0x3] =	stream.indirect_vreg.gather [hbm4b:s5+s2], $0x80, v4, vm0, $0xb8;
	[tilespmem:$0x1E200] =	vst v63  }
0xba: {  	s7 =	simm.s32 $0x15200  }
0xbb: {  	[tilespmem:s7], [sflag:$0x3] =	stream.indirect_vreg.gather [hbm4b:s4+s2], $0x80, v3, vm0, $0xb8;
	[tilespmem:$0x1E200] =	vst v63  }
0xbc: {  	s7 =	simm.s32 $0x15A00  }
0xbd: {  	[tilespmem:s7], [sflag:$0x3] =	stream.indirect_vreg.gather [hbm4b:s5+s2], $0x80, v3, vm0, $0xb8;
	[tilespmem:$0x1E200] =	vst v63  }
0xbe: {  	v3 =	vld [tilespmem:$0xB0];
	_ =	sdelay $0x4  }
0xbf: {  	v43 =	vshll.u32 v3, $0x2  }
0xc0: {  	v3 =	vand.u32 $0x7, v3;
	v4 =	vand.u32 $0xFFFFFFE0, v43  }
0xc1: {  	v3 =	vor.u32 v3, v4  }
0xc2: {  	v4 =	vperm.xlane v3, v0;
	_ =	sdelay $0x1  }
0xc3: {  	v4 =	vadd.s32 v1, v4;
	_ =	sdelay $0x1  }
0xc4: {  	v3 =	vperm.xlane v3, v2;
	_ =	sdelay $0x1  }
0xc5: {  	s7 =	simm.s32 $0x16200;
	v3 =	vadd.s32 v1, v3  }
0xc6: {  	[tilespmem:s7], [sflag:$0x3] =	stream.indirect_vreg.gather [hbm4b:s4+s2], $0x80, v4, vm0, $0xb8;
	[tilespmem:$0x1E200] =	vst v63  }
0xc7: {  	s7 =	simm.s32 $0x16A00  }
0xc8: {  	[tilespmem:s7], [sflag:$0x3] =	stream.indirect_vreg.gather [hbm4b:s5+s2], $0x80, v4, vm0, $0xb8;
	[tilespmem:$0x1E200] =	vst v63  }
0xc9: {  	s7 =	simm.s32 $0x17200  }
0xca: {  	[tilespmem:s7], [sflag:$0x3] =	stream.indirect_vreg.gather [hbm4b:s4+s2], $0x80, v3, vm0, $0xb8;
	[tilespmem:$0x1E200] =	vst v63  }
0xcb: {  	s7 =	simm.s32 $0x17A00  }
0xcc: {  	[tilespmem:s7], [sflag:$0x3] =	stream.indirect_vreg.gather [hbm4b:s5+s2], $0x80, v3, vm0, $0xb8;
	[tilespmem:$0x1E200] =	vst v63  }
0xcd: {  	v3 =	vld [tilespmem:$0xC0];
	_ =	sdelay $0x4  }
0xce: {  	v44 =	vshll.u32 v3, $0x2  }
0xcf: {  	v3 =	vand.u32 $0x7, v3;
	v4 =	vand.u32 $0xFFFFFFE0, v44  }
0xd0: {  	v3 =	vor.u32 v3, v4  }
0xd1: {  	v4 =	vperm.xlane v3, v0;
	_ =	sdelay $0x1  }
0xd2: {  	v4 =	vadd.s32 v1, v4;
	_ =	sdelay $0x1  }
0xd3: {  	v3 =	vperm.xlane v3, v2;
	_ =	sdelay $0x1  }
0xd4: {  	s7 =	simm.s32 $0x18200;
	v3 =	vadd.s32 v1, v3  }
0xd5: {  	[tilespmem:s7], [sflag:$0x3] =	stream.indirect_vreg.gather [hbm4b:s4+s2], $0x80, v4, vm0, $0xb8;
	[tilespmem:$0x1E200] =	vst v63  }
0xd6: {  	s7 =	simm.s32 $0x18A00  }
0xd7: {  	[tilespmem:s7], [sflag:$0x3] =	stream.indirect_vreg.gather [hbm4b:s5+s2], $0x80, v4, vm0, $0xb8;
	[tilespmem:$0x1E200] =	vst v63  }
0xd8: {  	s7 =	simm.s32 $0x19200  }
0xd9: {  	[tilespmem:s7], [sflag:$0x3] =	stream.indirect_vreg.gather [hbm4b:s4+s2], $0x80, v3, vm0, $0xb8;
	[tilespmem:$0x1E200] =	vst v63  }
0xda: {  	s7 =	simm.s32 $0x19A00  }
0xdb: {  	[tilespmem:s7], [sflag:$0x3] =	stream.indirect_vreg.gather [hbm4b:s5+s2], $0x80, v3, vm0, $0xb8;
	[tilespmem:$0x1E200] =	vst v63  }
0xdc: {  	v3 =	vld [tilespmem:$0xD0];
	_ =	sdelay $0x4  }
0xdd: {  	v45 =	vshll.u32 v3, $0x2  }
0xde: {  	v3 =	vand.u32 $0x7, v3;
	v4 =	vand.u32 $0xFFFFFFE0, v45  }
0xdf: {  	v3 =	vor.u32 v3, v4  }
0xe0: {  	v4 =	vperm.xlane v3, v0;
	_ =	sdelay $0x1  }
0xe1: {  	v4 =	vadd.s32 v1, v4;
	_ =	sdelay $0x1  }
0xe2: {  	v3 =	vperm.xlane v3, v2;
	_ =	sdelay $0x1  }
0xe3: {  	s7 =	simm.s32 $0x1A200;
	v3 =	vadd.s32 v1, v3  }
0xe4: {  	[tilespmem:s7], [sflag:$0x3] =	stream.indirect_vreg.gather [hbm4b:s4+s2], $0x80, v4, vm0, $0xb8;
	[tilespmem:$0x1E200] =	vst v63  }
0xe5: {  	s7 =	simm.s32 $0x1AA00  }
0xe6: {  	[tilespmem:s7], [sflag:$0x3] =	stream.indirect_vreg.gather [hbm4b:s5+s2], $0x80, v4, vm0, $0xb8;
	[tilespmem:$0x1E200] =	vst v63  }
0xe7: {  	s7 =	simm.s32 $0x1B200  }
0xe8: {  	[tilespmem:s7], [sflag:$0x3] =	stream.indirect_vreg.gather [hbm4b:s4+s2], $0x80, v3, vm0, $0xb8;
	[tilespmem:$0x1E200] =	vst v63  }
0xe9: {  	s7 =	simm.s32 $0x1BA00  }
0xea: {  	[tilespmem:s7], [sflag:$0x3] =	stream.indirect_vreg.gather [hbm4b:s5+s2], $0x80, v3, vm0, $0xb8;
	[tilespmem:$0x1E200] =	vst v63  }
0xeb: {  	v3 =	vld [tilespmem:$0xE0];
	_ =	sdelay $0x4  }
0xec: {  	v46 =	vshll.u32 v3, $0x2  }
0xed: {  	v3 =	vand.u32 $0x7, v3;
	v4 =	vand.u32 $0xFFFFFFE0, v46  }
0xee: {  	v3 =	vor.u32 v3, v4  }
0xef: {  	v4 =	vperm.xlane v3, v0;
	_ =	sdelay $0x1  }
0xf0: {  	v4 =	vadd.s32 v1, v4;
	_ =	sdelay $0x1  }
0xf1: {  	v3 =	vperm.xlane v3, v2;
	_ =	sdelay $0x1  }
0xf2: {  	s7 =	simm.s32 $0x1C200;
	v3 =	vadd.s32 v1, v3  }
0xf3: {  	[tilespmem:s7], [sflag:$0x3] =	stream.indirect_vreg.gather [hbm4b:s4+s2], $0x80, v4, vm0, $0xb8;
	[tilespmem:$0x1E200] =	vst v63  }
0xf4: {  	s7 =	simm.s32 $0x1CA00  }
0xf5: {  	[tilespmem:s7], [sflag:$0x3] =	stream.indirect_vreg.gather [hbm4b:s5+s2], $0x80, v4, vm0, $0xb8;
	[tilespmem:$0x1E200] =	vst v63  }
0xf6: {  	s7 =	simm.s32 $0x1D200  }
0xf7: {  	[tilespmem:s7], [sflag:$0x3] =	stream.indirect_vreg.gather [hbm4b:s4+s2], $0x80, v3, vm0, $0xb8;
	[tilespmem:$0x1E200] =	vst v63  }
0xf8: {  	s7 =	simm.s32 $0x1DA00  }
0xf9: {  	[tilespmem:s7], [sflag:$0x3] =	stream.indirect_vreg.gather [hbm4b:s5+s2], $0x80, v3, vm0, $0xb8;
	[tilespmem:$0x1E200] =	vst v63  }
0xfa: {  	_ =	swait.ge [sflag:s20], $0xA000  }
0xfb: {  	[sflag:s20] =	ssyncset.done $0x0  }
0xfc: {  	s7 =	rddreg [dreg:$0xb];
	[sflag:s20] =	ssyncadd.s32 $0xFFFF6000  }
0xfd: {  	[hbm4b:s7+s2] =	stream.linear.scatter [tilespmem:s22], [sflag:$0x4], $0xA000, $0x38;
	[tilespmem:$0x1E200] =	vst v63  }
0xfe: {  	_ =	swait.ge [sflag:s21], $0xA000  }
0xff: {  	[sflag:s21] =	ssyncset.done $0x0  }
0x100: {  	[sflag:s21] =	ssyncadd.s32 $0xFFFF6000  }
0x101: {  	v3 =	vld [tilespmem:$0xF0];
	_ =	sdelay $0x4  }
0x102: {  	v47 =	vshll.u32 v3, $0x2  }
0x103: {  	v3 =	vand.u32 $0x7, v3;
	v4 =	vand.u32 $0xFFFFFFE0, v47  }
0x104: {  	v3 =	vor.u32 v3, v4  }
0x105: {  	v4 =	vperm.xlane v3, v0;
	_ =	sdelay $0x1  }
0x106: {  	v4 =	vadd.s32 v1, v4;
	_ =	sdelay $0x1  }
0x107: {  	v3 =	vperm.xlane v3, v2;
	_ =	sdelay $0x1  }
0x108: {  	v3 =	vadd.s32 v1, v3  }
0x109: {  	[tilespmem:s22], [sflag:$0x1] =	stream.indirect_vreg.gather [hbm4b:s4+s2], $0x80, v4, vm0, $0xb8;
	[tilespmem:$0x1E200] =	vst v63  }
0x10a: {  	s7 =	simm.s32 $0xA00  }
0x10b: {  	[tilespmem:s7], [sflag:$0x1] =	stream.indirect_vreg.gather [hbm4b:s5+s2], $0x80, v4, vm0, $0xb8;
	[tilespmem:$0x1E200] =	vst v63  }
0x10c: {  	s7 =	simm.s32 $0x1200  }
0x10d: {  	[tilespmem:s7], [sflag:$0x1] =	stream.indirect_vreg.gather [hbm4b:s4+s2], $0x80, v3, vm0, $0xb8;
	[tilespmem:$0x1E200] =	vst v63  }
0x10e: {  	s7 =	simm.s32 $0x1A00  }
0x10f: {  	[tilespmem:s7], [sflag:$0x1] =	stream.indirect_vreg.gather [hbm4b:s5+s2], $0x80, v3, vm0, $0xb8;
	[tilespmem:$0x1E200] =	vst v63  }
0x110: {  	v3 =	vld [tilespmem:$0x100];
	_ =	sdelay $0x4  }
0x111: {  	v48 =	vshll.u32 v3, $0x2  }
0x112: {  	v3 =	vand.u32 $0x7, v3;
	v4 =	vand.u32 $0xFFFFFFE0, v48  }
0x113: {  	v3 =	vor.u32 v3, v4  }
0x114: {  	v4 =	vperm.xlane v3, v0;
	_ =	sdelay $0x1  }
0x115: {  	v4 =	vadd.s32 v1, v4;
	_ =	sdelay $0x1  }
0x116: {  	v3 =	vperm.xlane v3, v2;
	_ =	sdelay $0x1  }
0x117: {  	s7 =	simm.s32 $0x2200;
	v3 =	vadd.s32 v1, v3  }
0x118: {  	[tilespmem:s7], [sflag:$0x1] =	stream.indirect_vreg.gather [hbm4b:s4+s2], $0x80, v4, vm0, $0xb8;
	[tilespmem:$0x1E200] =	vst v63  }
0x119: {  	s7 =	simm.s32 $0x2A00  }
0x11a: {  	[tilespmem:s7], [sflag:$0x1] =	stream.indirect_vreg.gather [hbm4b:s5+s2], $0x80, v4, vm0, $0xb8;
	[tilespmem:$0x1E200] =	vst v63  }
0x11b: {  	s7 =	simm.s32 $0x3200  }
0x11c: {  	[tilespmem:s7], [sflag:$0x1] =	stream.indirect_vreg.gather [hbm4b:s4+s2], $0x80, v3, vm0, $0xb8;
	[tilespmem:$0x1E200] =	vst v63  }
0x11d: {  	s7 =	simm.s32 $0x3A00  }
0x11e: {  	[tilespmem:s7], [sflag:$0x1] =	stream.indirect_vreg.gather [hbm4b:s5+s2], $0x80, v3, vm0, $0xb8;
	[tilespmem:$0x1E200] =	vst v63  }
0x11f: {  	v3 =	vld [tilespmem:$0x110];
	_ =	sdelay $0x4  }
0x120: {  	v49 =	vshll.u32 v3, $0x2  }
0x121: {  	v3 =	vand.u32 $0x7, v3;
	v4 =	vand.u32 $0xFFFFFFE0, v49  }
0x122: {  	v3 =	vor.u32 v3, v4  }
0x123: {  	v4 =	vperm.xlane v3, v0;
	_ =	sdelay $0x1  }
0x124: {  	v4 =	vadd.s32 v1, v4;
	_ =	sdelay $0x1  }
0x125: {  	v3 =	vperm.xlane v3, v2;
	_ =	sdelay $0x1  }
0x126: {  	v3 =	vadd.s32 v1, v3  }
0x127: {  	[tilespmem:s26], [sflag:$0x1] =	stream.indirect_vreg.gather [hbm4b:s4+s2], $0x80, v4, vm0, $0xb8;
	[tilespmem:$0x1E200] =	vst v63  }
0x128: {  	_ = 	snop  }
0x129: {  	[tilespmem:s28], [sflag:$0x1] =	stream.indirect_vreg.gather [hbm4b:s5+s2], $0x80, v4, vm0, $0xb8;
	[tilespmem:$0x1E200] =	vst v63  }
0x12a: {  	_ = 	snop  }
0x12b: {  	[tilespmem:s30], [sflag:$0x1] =	stream.indirect_vreg.gather [hbm4b:s4+s2], $0x80, v3, vm0, $0xb8;
	[tilespmem:$0x1E200] =	vst v63  }
0x12c: {  	_ = 	snop  }
0x12d: {  	[tilespmem:s31], [sflag:$0x1] =	stream.indirect_vreg.gather [hbm4b:s5+s2], $0x80, v3, vm0, $0xb8;
	[tilespmem:$0x1E200] =	vst v63  }
0x12e: {  	v3 =	vld [tilespmem:$0x120];
	_ =	sdelay $0x4  }
0x12f: {  	v50 =	vshll.u32 v3, $0x2  }
0x130: {  	v3 =	vand.u32 $0x7, v3;
	v4 =	vand.u32 $0xFFFFFFE0, v50  }
0x131: {  	v3 =	vor.u32 v3, v4  }
0x132: {  	v4 =	vperm.xlane v3, v0;
	_ =	sdelay $0x1  }
0x133: {  	v4 =	vadd.s32 v1, v4;
	_ =	sdelay $0x1  }
0x134: {  	v3 =	vperm.xlane v3, v2;
	_ =	sdelay $0x1  }
0x135: {  	v3 =	vadd.s32 v1, v3  }
0x136: {  	[tilespmem:s1], [sflag:$0x1] =	stream.indirect_vreg.gather [hbm4b:s4+s2], $0x80, v4, vm0, $0xb8;
	[tilespmem:$0x1E200] =	vst v63  }
0x137: {  	_ = 	snop  }
0x138: {  	[tilespmem:s16], [sflag:$0x1] =	stream.indirect_vreg.gather [hbm4b:s5+s2], $0x80, v4, vm0, $0xb8;
	[tilespmem:$0x1E200] =	vst v63  }
0x139: {  	_ = 	snop  }
0x13a: {  	[tilespmem:s17], [sflag:$0x1] =	stream.indirect_vreg.gather [hbm4b:s4+s2], $0x80, v3, vm0, $0xb8;
	[tilespmem:$0x1E200] =	vst v63  }
0x13b: {  	_ = 	snop  }
0x13c: {  	[tilespmem:s18], [sflag:$0x1] =	stream.indirect_vreg.gather [hbm4b:s5+s2], $0x80, v3, vm0, $0xb8;
	[tilespmem:$0x1E200] =	vst v63  }
0x13d: {  	v3 =	vld [tilespmem:$0x130];
	_ =	sdelay $0x4  }
0x13e: {  	v51 =	vshll.u32 v3, $0x2  }
0x13f: {  	v3 =	vand.u32 $0x7, v3;
	v4 =	vand.u32 $0xFFFFFFE0, v51  }
0x140: {  	v3 =	vor.u32 v3, v4  }
0x141: {  	v4 =	vperm.xlane v3, v0;
	_ =	sdelay $0x1  }
0x142: {  	v4 =	vadd.s32 v1, v4;
	_ =	sdelay $0x1  }
0x143: {  	v3 =	vperm.xlane v3, v2;
	_ =	sdelay $0x1  }
0x144: {  	v3 =	vadd.s32 v1, v3  }
0x145: {  	[tilespmem:s19], [sflag:$0x1] =	stream.indirect_vreg.gather [hbm4b:s4+s2], $0x80, v4, vm0, $0xb8;
	[tilespmem:$0x1E200] =	vst v63  }
0x146: {  	_ = 	snop  }
0x147: {  	[tilespmem:s3], [sflag:$0x1] =	stream.indirect_vreg.gather [hbm4b:s5+s2], $0x80, v4, vm0, $0xb8;
	[tilespmem:$0x1E200] =	vst v63  }
0x148: {  	_ = 	snop  }
0x149: {  	[tilespmem:s9], [sflag:$0x1] =	stream.indirect_vreg.gather [hbm4b:s4+s2], $0x80, v3, vm0, $0xb8;
	[tilespmem:$0x1E200] =	vst v63  }
0x14a: {  	s1 =	simm.s32 $0x2  }
0x14b: {  	[tilespmem:s8], [sflag:$0x1] =	stream.indirect_vreg.gather [hbm4b:s5+s2], $0x80, v3, vm0, $0xb8;
	[tilespmem:$0x1E200] =	vst v63  }
0x14c: {  	_ =	swait.ge [sflag:s1], $0xA000  }
0x14d: {  	s3 =	simm.s32 $0x5;
	[sflag:s1] =	ssyncset.done $0x0  }
0x14e: {  	s9 =	simm.s32 $0xA200;
	s8 =	rddreg [dreg:$0x5];
	[sflag:s1] =	ssyncadd.s32 $0xFFFF6000  }
0x14f: {  	[hbm4b:s8+s2] =	stream.linear.scatter [tilespmem:s9], [sflag:$0x5], $0xA000, $0x38;
	[tilespmem:$0x1E200] =	vst v63  }
0x150: {  	_ =	swait.ge [sflag:s3], $0xA000  }
0x151: {  	[sflag:s3] =	ssyncset.done $0x0  }
0x152: {  	[sflag:s3] =	ssyncadd.s32 $0xFFFF6000  }
0x153: {  	v3 =	vld [tilespmem:$0x140];
	_ =	sdelay $0x4  }
0x154: {  	v52 =	vshll.u32 v3, $0x2  }
0x155: {  	v3 =	vand.u32 $0x7, v3;
	v4 =	vand.u32 $0xFFFFFFE0, v52  }
0x156: {  	v3 =	vor.u32 v3, v4  }
0x157: {  	v4 =	vperm.xlane v3, v0;
	_ =	sdelay $0x1  }
0x158: {  	v4 =	vadd.s32 v1, v4;
	_ =	sdelay $0x1  }
0x159: {  	v3 =	vperm.xlane v3, v2;
	_ =	sdelay $0x1  }
0x15a: {  	v3 =	vadd.s32 v1, v3  }
0x15b: {  	[tilespmem:s9], [sflag:$0x2] =	stream.indirect_vreg.gather [hbm4b:s4+s2], $0x80, v4, vm0, $0xb8;
	[tilespmem:$0x1E200] =	vst v63  }
0x15c: {  	_ = 	snop  }
0x15d: {  	[tilespmem:s10], [sflag:$0x2] =	stream.indirect_vreg.gather [hbm4b:s5+s2], $0x80, v4, vm0, $0xb8;
	[tilespmem:$0x1E200] =	vst v63  }
0x15e: {  	_ = 	snop  }
0x15f: {  	[tilespmem:s11], [sflag:$0x2] =	stream.indirect_vreg.gather [hbm4b:s4+s2], $0x80, v3, vm0, $0xb8;
	[tilespmem:$0x1E200] =	vst v63  }
0x160: {  	_ = 	snop  }
0x161: {  	[tilespmem:s12], [sflag:$0x2] =	stream.indirect_vreg.gather [hbm4b:s5+s2], $0x80, v3, vm0, $0xb8;
	[tilespmem:$0x1E200] =	vst v63  }
0x162: {  	v3 =	vld [tilespmem:$0x150];
	_ =	sdelay $0x4  }
0x163: {  	v53 =	vshll.u32 v3, $0x2  }
0x164: {  	v3 =	vand.u32 $0x7, v3;
	v4 =	vand.u32 $0xFFFFFFE0, v53  }
0x165: {  	v3 =	vor.u32 v3, v4  }
0x166: {  	v4 =	vperm.xlane v3, v0;
	_ =	sdelay $0x1  }
0x167: {  	v4 =	vadd.s32 v1, v4;
	_ =	sdelay $0x1  }
0x168: {  	v3 =	vperm.xlane v3, v2;
	_ =	sdelay $0x1  }
0x169: {  	v3 =	vadd.s32 v1, v3  }
0x16a: {  	[tilespmem:s13], [sflag:$0x2] =	stream.indirect_vreg.gather [hbm4b:s4+s2], $0x80, v4, vm0, $0xb8;
	[tilespmem:$0x1E200] =	vst v63  }
0x16b: {  	_ = 	snop  }
0x16c: {  	[tilespmem:s14], [sflag:$0x2] =	stream.indirect_vreg.gather [hbm4b:s5+s2], $0x80, v4, vm0, $0xb8;
	[tilespmem:$0x1E200] =	vst v63  }
0x16d: {  	_ = 	snop  }
0x16e: {  	[tilespmem:s15], [sflag:$0x2] =	stream.indirect_vreg.gather [hbm4b:s4+s2], $0x80, v3, vm0, $0xb8;
	[tilespmem:$0x1E200] =	vst v63  }
0x16f: {  	_ = 	snop  }
0x170: {  	[tilespmem:s29], [sflag:$0x2] =	stream.indirect_vreg.gather [hbm4b:s5+s2], $0x80, v3, vm0, $0xb8;
	[tilespmem:$0x1E200] =	vst v63  }
0x171: {  	v3 =	vld [tilespmem:$0x160];
	_ =	sdelay $0x4  }
0x172: {  	v54 =	vshll.u32 v3, $0x2  }
0x173: {  	v3 =	vand.u32 $0x7, v3;
	v4 =	vand.u32 $0xFFFFFFE0, v54  }
0x174: {  	v3 =	vor.u32 v3, v4  }
0x175: {  	v4 =	vperm.xlane v3, v0;
	_ =	sdelay $0x1  }
0x176: {  	v4 =	vadd.s32 v1, v4;
	_ =	sdelay $0x1  }
0x177: {  	v3 =	vperm.xlane v3, v2;
	_ =	sdelay $0x1  }
0x178: {  	v3 =	vadd.s32 v1, v3  }
0x179: {  	[tilespmem:s23], [sflag:$0x2] =	stream.indirect_vreg.gather [hbm4b:s4+s2], $0x80, v4, vm0, $0xb8;
	[tilespmem:$0x1E200] =	vst v63  }
0x17a: {  	_ = 	snop  }
0x17b: {  	[tilespmem:s24], [sflag:$0x2] =	stream.indirect_vreg.gather [hbm4b:s5+s2], $0x80, v4, vm0, $0xb8;
	[tilespmem:$0x1E200] =	vst v63  }
0x17c: {  	_ = 	snop  }
0x17d: {  	[tilespmem:s25], [sflag:$0x2] =	stream.indirect_vreg.gather [hbm4b:s4+s2], $0x80, v3, vm0, $0xb8;
	[tilespmem:$0x1E200] =	vst v63  }
0x17e: {  	s10 =	simm.s32 $0xFA00  }
0x17f: {  	[tilespmem:s10], [sflag:$0x2] =	stream.indirect_vreg.gather [hbm4b:s5+s2], $0x80, v3, vm0, $0xb8;
	[tilespmem:$0x1E200] =	vst v63  }
0x180: {  	v3 =	vld [tilespmem:$0x170];
	_ =	sdelay $0x4  }
0x181: {  	v55 =	vshll.u32 v3, $0x2  }
0x182: {  	v3 =	vand.u32 $0x7, v3;
	v4 =	vand.u32 $0xFFFFFFE0, v55  }
0x183: {  	v3 =	vor.u32 v3, v4  }
0x184: {  	v4 =	vperm.xlane v3, v0;
	_ =	sdelay $0x1  }
0x185: {  	v4 =	vadd.s32 v1, v4;
	_ =	sdelay $0x1  }
0x186: {  	v3 =	vperm.xlane v3, v2;
	_ =	sdelay $0x1  }
0x187: {  	s26 =	simm.s32 $0x10200;
	v3 =	vadd.s32 v1, v3  }
0x188: {  	[tilespmem:s26], [sflag:$0x2] =	stream.indirect_vreg.gather [hbm4b:s4+s2], $0x80, v4, vm0, $0xb8;
	[tilespmem:$0x1E200] =	vst v63  }
0x189: {  	s8 =	simm.s32 $0x10A00  }
0x18a: {  	[tilespmem:s8], [sflag:$0x2] =	stream.indirect_vreg.gather [hbm4b:s5+s2], $0x80, v4, vm0, $0xb8;
	[tilespmem:$0x1E200] =	vst v63  }
0x18b: {  	s10 =	simm.s32 $0x11200  }
0x18c: {  	[tilespmem:s10], [sflag:$0x2] =	stream.indirect_vreg.gather [hbm4b:s4+s2], $0x80, v3, vm0, $0xb8;
	[tilespmem:$0x1E200] =	vst v63  }
0x18d: {  	s26 =	simm.s32 $0x11A00  }
0x18e: {  	[tilespmem:s26], [sflag:$0x2] =	stream.indirect_vreg.gather [hbm4b:s5+s2], $0x80, v3, vm0, $0xb8;
	[tilespmem:$0x1E200] =	vst v63  }
0x18f: {  	v3 =	vld [tilespmem:$0x180];
	_ =	sdelay $0x4  }
0x190: {  	v56 =	vshll.u32 v3, $0x2  }
0x191: {  	v3 =	vand.u32 $0x7, v3;
	v4 =	vand.u32 $0xFFFFFFE0, v56  }
0x192: {  	v3 =	vor.u32 v3, v4  }
0x193: {  	v4 =	vperm.xlane v3, v0;
	_ =	sdelay $0x1  }
0x194: {  	v4 =	vadd.s32 v1, v4;
	_ =	sdelay $0x1  }
0x195: {  	v3 =	vperm.xlane v3, v2;
	_ =	sdelay $0x1  }
0x196: {  	s8 =	simm.s32 $0x12200;
	v3 =	vadd.s32 v1, v3  }
0x197: {  	[tilespmem:s8], [sflag:$0x2] =	stream.indirect_vreg.gather [hbm4b:s4+s2], $0x80, v4, vm0, $0xb8;
	[tilespmem:$0x1E200] =	vst v63  }
0x198: {  	s10 =	simm.s32 $0x12A00  }
0x199: {  	[tilespmem:s10], [sflag:$0x2] =	stream.indirect_vreg.gather [hbm4b:s5+s2], $0x80, v4, vm0, $0xb8;
	[tilespmem:$0x1E200] =	vst v63  }
0x19a: {  	s26 =	simm.s32 $0x13200  }
0x19b: {  	[tilespmem:s26], [sflag:$0x2] =	stream.indirect_vreg.gather [hbm4b:s4+s2], $0x80, v3, vm0, $0xb8;
	[tilespmem:$0x1E200] =	vst v63  }
0x19c: {  	s7 =	simm.s32 $0x3;
	s8 =	simm.s32 $0x13A00  }
0x19d: {  	[tilespmem:s8], [sflag:$0x2] =	stream.indirect_vreg.gather [hbm4b:s5+s2], $0x80, v3, vm0, $0xb8;
	[tilespmem:$0x1E200] =	vst v63  }
0x19e: {  	_ =	swait.ge [sflag:s7], $0xA000  }
0x19f: {  	[sflag:s7] =	ssyncset.done $0x0  }
0x1a0: {  	s8 =	simm.s32 $0x6;
	s10 =	rddreg [dreg:$0x6];
	[sflag:s7] =	ssyncadd.s32 $0xFFFF6000  }
0x1a1: {  	[hbm4b:s10+s2] =	stream.linear.scatter [tilespmem:s0], [sflag:$0x6], $0xA000, $0x38;
	[tilespmem:$0x1E200] =	vst v63  }
0x1a2: {  	_ =	swait.ge [sflag:s8], $0xA000  }
0x1a3: {  	[sflag:s8] =	ssyncset.done $0x0  }
0x1a4: {  	[sflag:s8] =	ssyncadd.s32 $0xFFFF6000  }
0x1a5: {  	v3 =	vld [tilespmem:$0x190];
	_ =	sdelay $0x4  }
0x1a6: {  	v57 =	vshll.u32 v3, $0x2  }
0x1a7: {  	v3 =	vand.u32 $0x7, v3;
	v4 =	vand.u32 $0xFFFFFFE0, v57  }
0x1a8: {  	v3 =	vor.u32 v3, v4  }
0x1a9: {  	v4 =	vperm.xlane v3, v0;
	_ =	sdelay $0x1  }
0x1aa: {  	v4 =	vadd.s32 v1, v4;
	_ =	sdelay $0x1  }
0x1ab: {  	v3 =	vperm.xlane v3, v2;
	_ =	sdelay $0x1  }
0x1ac: {  	v3 =	vadd.s32 v1, v3  }
0x1ad: {  	[tilespmem:s0], [sflag:$0x3] =	stream.indirect_vreg.gather [hbm4b:s4+s2], $0x80, v4, vm0, $0xb8;
	[tilespmem:$0x1E200] =	vst v63  }
0x1ae: {  	s26 =	simm.s32 $0x14A00  }
0x1af: {  	[tilespmem:s26], [sflag:$0x3] =	stream.indirect_vreg.gather [hbm4b:s5+s2], $0x80, v4, vm0, $0xb8;
	[tilespmem:$0x1E200] =	vst v63  }
0x1b0: {  	s26 =	simm.s32 $0x15200  }
0x1b1: {  	[tilespmem:s26], [sflag:$0x3] =	stream.indirect_vreg.gather [hbm4b:s4+s2], $0x80, v3, vm0, $0xb8;
	[tilespmem:$0x1E200] =	vst v63  }
0x1b2: {  	s26 =	simm.s32 $0x15A00  }
0x1b3: {  	[tilespmem:s26], [sflag:$0x3] =	stream.indirect_vreg.gather [hbm4b:s5+s2], $0x80, v3, vm0, $0xb8;
	[tilespmem:$0x1E200] =	vst v63  }
0x1b4: {  	v3 =	vld [tilespmem:$0x1A0];
	_ =	sdelay $0x4  }
0x1b5: {  	v58 =	vshll.u32 v3, $0x2  }
0x1b6: {  	v3 =	vand.u32 $0x7, v3;
	v4 =	vand.u32 $0xFFFFFFE0, v58  }
0x1b7: {  	v3 =	vor.u32 v3, v4  }
0x1b8: {  	v4 =	vperm.xlane v3, v0;
	_ =	sdelay $0x1  }
0x1b9: {  	v4 =	vadd.s32 v1, v4;
	_ =	sdelay $0x1  }
0x1ba: {  	v3 =	vperm.xlane v3, v2;
	_ =	sdelay $0x1  }
0x1bb: {  	s26 =	simm.s32 $0x16200;
	v3 =	vadd.s32 v1, v3  }
0x1bc: {  	[tilespmem:s26], [sflag:$0x3] =	stream.indirect_vreg.gather [hbm4b:s4+s2], $0x80, v4, vm0, $0xb8;
	[tilespmem:$0x1E200] =	vst v63  }
0x1bd: {  	s26 =	simm.s32 $0x16A00  }
0x1be: {  	[tilespmem:s26], [sflag:$0x3] =	stream.indirect_vreg.gather [hbm4b:s5+s2], $0x80, v4, vm0, $0xb8;
	[tilespmem:$0x1E200] =	vst v63  }
0x1bf: {  	s26 =	simm.s32 $0x17200  }
0x1c0: {  	[tilespmem:s26], [sflag:$0x3] =	stream.indirect_vreg.gather [hbm4b:s4+s2], $0x80, v3, vm0, $0xb8;
	[tilespmem:$0x1E200] =	vst v63  }
0x1c1: {  	s26 =	simm.s32 $0x17A00  }
0x1c2: {  	[tilespmem:s26], [sflag:$0x3] =	stream.indirect_vreg.gather [hbm4b:s5+s2], $0x80, v3, vm0, $0xb8;
	[tilespmem:$0x1E200] =	vst v63  }
0x1c3: {  	v3 =	vld [tilespmem:$0x1B0];
	_ =	sdelay $0x4  }
0x1c4: {  	v59 =	vshll.u32 v3, $0x2  }
0x1c5: {  	v3 =	vand.u32 $0x7, v3;
	v4 =	vand.u32 $0xFFFFFFE0, v59  }
0x1c6: {  	v3 =	vor.u32 v3, v4  }
0x1c7: {  	v4 =	vperm.xlane v3, v0;
	_ =	sdelay $0x1  }
0x1c8: {  	v4 =	vadd.s32 v1, v4;
	_ =	sdelay $0x1  }
0x1c9: {  	v3 =	vperm.xlane v3, v2;
	_ =	sdelay $0x1  }
0x1ca: {  	s26 =	simm.s32 $0x18200;
	v3 =	vadd.s32 v1, v3  }
0x1cb: {  	[tilespmem:s26], [sflag:$0x3] =	stream.indirect_vreg.gather [hbm4b:s4+s2], $0x80, v4, vm0, $0xb8;
	[tilespmem:$0x1E200] =	vst v63  }
0x1cc: {  	s26 =	simm.s32 $0x18A00  }
0x1cd: {  	[tilespmem:s26], [sflag:$0x3] =	stream.indirect_vreg.gather [hbm4b:s5+s2], $0x80, v4, vm0, $0xb8;
	[tilespmem:$0x1E200] =	vst v63  }
0x1ce: {  	s26 =	simm.s32 $0x19200  }
0x1cf: {  	[tilespmem:s26], [sflag:$0x3] =	stream.indirect_vreg.gather [hbm4b:s4+s2], $0x80, v3, vm0, $0xb8;
	[tilespmem:$0x1E200] =	vst v63  }
0x1d0: {  	s26 =	simm.s32 $0x19A00  }
0x1d1: {  	[tilespmem:s26], [sflag:$0x3] =	stream.indirect_vreg.gather [hbm4b:s5+s2], $0x80, v3, vm0, $0xb8;
	[tilespmem:$0x1E200] =	vst v63  }
0x1d2: {  	v3 =	vld [tilespmem:$0x1C0];
	_ =	sdelay $0x4  }
0x1d3: {  	v60 =	vshll.u32 v3, $0x2  }
0x1d4: {  	v3 =	vand.u32 $0x7, v3;
	v4 =	vand.u32 $0xFFFFFFE0, v60  }
0x1d5: {  	v3 =	vor.u32 v3, v4  }
0x1d6: {  	v4 =	vperm.xlane v3, v0;
	_ =	sdelay $0x1  }
0x1d7: {  	v4 =	vadd.s32 v1, v4;
	_ =	sdelay $0x1  }
0x1d8: {  	v3 =	vperm.xlane v3, v2;
	_ =	sdelay $0x1  }
0x1d9: {  	s26 =	simm.s32 $0x1A200;
	v3 =	vadd.s32 v1, v3  }
0x1da: {  	[tilespmem:s26], [sflag:$0x3] =	stream.indirect_vreg.gather [hbm4b:s4+s2], $0x80, v4, vm0, $0xb8;
	[tilespmem:$0x1E200] =	vst v63  }
0x1db: {  	s26 =	simm.s32 $0x1AA00  }
0x1dc: {  	[tilespmem:s26], [sflag:$0x3] =	stream.indirect_vreg.gather [hbm4b:s5+s2], $0x80, v4, vm0, $0xb8;
	[tilespmem:$0x1E200] =	vst v63  }
0x1dd: {  	s26 =	simm.s32 $0x1B200  }
0x1de: {  	[tilespmem:s26], [sflag:$0x3] =	stream.indirect_vreg.gather [hbm4b:s4+s2], $0x80, v3, vm0, $0xb8;
	[tilespmem:$0x1E200] =	vst v63  }
0x1df: {  	s26 =	simm.s32 $0x1BA00  }
0x1e0: {  	[tilespmem:s26], [sflag:$0x3] =	stream.indirect_vreg.gather [hbm4b:s5+s2], $0x80, v3, vm0, $0xb8;
	[tilespmem:$0x1E200] =	vst v63  }
0x1e1: {  	v3 =	vld [tilespmem:$0x1D0];
	_ =	sdelay $0x4  }
0x1e2: {  	v61 =	vshll.u32 v3, $0x2  }
0x1e3: {  	v3 =	vand.u32 $0x7, v3;
	v4 =	vand.u32 $0xFFFFFFE0, v61  }
0x1e4: {  	v3 =	vor.u32 v3, v4  }
0x1e5: {  	v4 =	vperm.xlane v3, v0;
	_ =	sdelay $0x1  }
0x1e6: {  	v4 =	vadd.s32 v1, v4;
	_ =	sdelay $0x1  }
0x1e7: {  	v3 =	vperm.xlane v3, v2;
	_ =	sdelay $0x1  }
0x1e8: {  	s26 =	simm.s32 $0x1C200;
	v3 =	vadd.s32 v1, v3  }
0x1e9: {  	[tilespmem:s26], [sflag:$0x3] =	stream.indirect_vreg.gather [hbm4b:s4+s2], $0x80, v4, vm0, $0xb8;
	[tilespmem:$0x1E200] =	vst v63  }
0x1ea: {  	s26 =	simm.s32 $0x1CA00  }
0x1eb: {  	[tilespmem:s26], [sflag:$0x3] =	stream.indirect_vreg.gather [hbm4b:s5+s2], $0x80, v4, vm0, $0xb8;
	[tilespmem:$0x1E200] =	vst v63  }
0x1ec: {  	s26 =	simm.s32 $0x1D200  }
0x1ed: {  	[tilespmem:s26], [sflag:$0x3] =	stream.indirect_vreg.gather [hbm4b:s4+s2], $0x80, v3, vm0, $0xb8;
	[tilespmem:$0x1E200] =	vst v63  }
0x1ee: {  	s26 =	simm.s32 $0x1DA00  }
0x1ef: {  	[tilespmem:s26], [sflag:$0x3] =	stream.indirect_vreg.gather [hbm4b:s5+s2], $0x80, v3, vm0, $0xb8;
	[tilespmem:$0x1E200] =	vst v63  }
0x1f0: {  	_ =	swait.ge [sflag:s20], $0xA000  }
0x1f1: {  	[sflag:s20] =	ssyncset.done $0x0  }
0x1f2: {  	s10 =	rddreg [dreg:$0x7];
	[sflag:s20] =	ssyncadd.s32 $0xFFFF6000  }
0x1f3: {  	[hbm4b:s10+s2] =	stream.linear.scatter [tilespmem:s22], [sflag:$0x4], $0xA000, $0x38;
	[tilespmem:$0x1E200] =	vst v63  }
0x1f4: {  	_ =	swait.ge [sflag:s21], $0xA000  }
0x1f5: {  	[sflag:s21] =	ssyncset.done $0x0  }
0x1f6: {  	[sflag:s21] =	ssyncadd.s32 $0xFFFF6000  }
0x1f7: {  	v3 =	vld [tilespmem:$0x1E0];
	_ =	sdelay $0x4  }
0x1f8: {  	v62 =	vshll.u32 v3, $0x2  }
0x1f9: {  	v3 =	vand.u32 $0x7, v3;
	v4 =	vand.u32 $0xFFFFFFE0, v62  }
0x1fa: {  	v3 =	vor.u32 v3, v4  }
0x1fb: {  	v4 =	vperm.xlane v3, v0;
	_ =	sdelay $0x1  }
0x1fc: {  	v4 =	vadd.s32 v1, v4;
	_ =	sdelay $0x1  }
0x1fd: {  	v3 =	vperm.xlane v3, v2;
	_ =	sdelay $0x1  }
0x1fe: {  	v3 =	vadd.s32 v1, v3  }
0x1ff: {  	[tilespmem:s22], [sflag:$0x1] =	stream.indirect_vreg.gather [hbm4b:s4+s2], $0x80, v4, vm0, $0xb8;
	[tilespmem:$0x1E200] =	vst v63  }
0x200: {  	s26 =	simm.s32 $0xA00  }
0x201: {  	[tilespmem:s26], [sflag:$0x1] =	stream.indirect_vreg.gather [hbm4b:s5+s2], $0x80, v4, vm0, $0xb8;
	[tilespmem:$0x1E200] =	vst v63  }
0x202: {  	s26 =	simm.s32 $0x1200  }
0x203: {  	[tilespmem:s26], [sflag:$0x1] =	stream.indirect_vreg.gather [hbm4b:s4+s2], $0x80, v3, vm0, $0xb8;
	[tilespmem:$0x1E200] =	vst v63  }
0x204: {  	s26 =	simm.s32 $0x1A00  }
0x205: {  	[tilespmem:s26], [sflag:$0x1] =	stream.indirect_vreg.gather [hbm4b:s5+s2], $0x80, v3, vm0, $0xb8;
	[tilespmem:$0x1E200] =	vst v63  }
0x206: {  	v3 =	vld [tilespmem:$0x1F0];
	_ =	sdelay $0x4  }
0x207: {  	v63 =	vshll.u32 v3, $0x2  }
0x208: {  	v3 =	vand.u32 $0x7, v3;
	v4 =	vand.u32 $0xFFFFFFE0, v63  }
0x209: {  	v3 =	vor.u32 v3, v4  }
0x20a: {  	v4 =	vperm.xlane v3, v0;
	_ =	sdelay $0x1  }
0x20b: {  	v4 =	vadd.s32 v1, v4;
	_ =	sdelay $0x1  }
0x20c: {  	v3 =	vperm.xlane v3, v2;
	_ =	sdelay $0x1  }
0x20d: {  	s26 =	simm.s32 $0x2200;
	v3 =	vadd.s32 v1, v3  }
0x20e: {  	[tilespmem:s26], [sflag:$0x1] =	stream.indirect_vreg.gather [hbm4b:s4+s2], $0x80, v4, vm0, $0xb8;
	[tilespmem:$0x1E200] =	vst v63  }
0x20f: {  	s26 =	simm.s32 $0x2A00  }
0x210: {  	[tilespmem:s26], [sflag:$0x1] =	stream.indirect_vreg.gather [hbm4b:s5+s2], $0x80, v4, vm0, $0xb8;
	[tilespmem:$0x1E200] =	vst v63  }
0x211: {  	s26 =	simm.s32 $0x3200  }
0x212: {  	[tilespmem:s26], [sflag:$0x1] =	stream.indirect_vreg.gather [hbm4b:s4+s2], $0x80, v3, vm0, $0xb8;
	[tilespmem:$0x1E200] =	vst v63  }
0x213: {  	s26 =	simm.s32 $0x3A00  }
0x214: {  	[tilespmem:s26], [sflag:$0x1] =	stream.indirect_vreg.gather [hbm4b:s5+s2], $0x80, v3, vm0, $0xb8;
	[tilespmem:$0x1E200] =	vst v63  }
0x215: {  	_ =	swait.ge [sflag:s1], $0xA000  }
0x216: {  	[sflag:s1] =	ssyncset.done $0x0  }
0x217: {  	s9 =	simm.s32 $0xA200;
	s10 =	rddreg [dreg:$0x8];
	[sflag:s1] =	ssyncadd.s32 $0xFFFF6000  }
0x218: {  	[hbm4b:s10+s2] =	stream.linear.scatter [tilespmem:s9], [sflag:$0x5], $0xA000, $0x38;
	[tilespmem:$0x1E200] =	vst v63  }
0x219: {  	_ =	swait.ge [sflag:s7], $0xA000  }
0x21a: {  	[sflag:s7] =	ssyncset.done $0x0  }
0x21b: {  	s9 =	rddreg [dreg:$0x9];
	[sflag:s7] =	ssyncadd.s32 $0xFFFF6000  }
0x21c: {  	[hbm4b:s9+s2] =	stream.linear.scatter [tilespmem:s0], [sflag:$0x6], $0xA000, $0x38;
	[tilespmem:$0x1E200] =	vst v63  }
0x21d: {  	_ =	swait.ge [sflag:s20], $0x4000  }
0x21e: {  	[sflag:s20] =	ssyncset.done $0x0  }
0x21f: {  	s10 =	rddreg [dreg:$0xa];
	[sflag:s20] =	ssyncadd.s32 $0xFFFFC000  }
0x220: {  	[hbm4b:s10+s2] =	stream.linear.scatter [tilespmem:s22], [sflag:$0x4], $0x4000, $0x38;
	[tilespmem:$0x1E200] =	vst v63  }
0x221: {  	_ =	swait.ge [sflag:s3], $0xA000  }
0x222: {  	[sflag:s3] =	ssyncset.done $0x0  }
0x223: {  	[sflag:s3] =	ssyncadd.s32 $0xFFFF6000  }
0x224: {  	p0 =	sne.s32 s6, $0x1;
	_ =	swait.ge [sflag:s8], $0xA000  }
.Ltmp0:
0x225: {  	[sflag:s8] =	ssyncset.done $0x0;
	(pc) =	sbr.rel @p0 .LBB2_1-.Ltmp0, $4  }
0x226: {  	[sflag:s8] =	ssyncadd.s32 $0xFFFF6000  }
0x227: {  	_ =	swait.ge [sflag:s21], $0x4000  }
0x228: {  	[sflag:s21] =	ssyncset.done $0x0  }
0x229: {  	s6 =	sadd.s32 $0xFFFFFFFF, s6;
	[sflag:s21] =	ssyncadd.s32 $0xFFFFC000  }
0x22a: {  	_ =	sfence.sel $0x180000  }
0x22b: {  	[bflag:$0x0] =	sbarrier.arrive $0xFFFF  }
0x22c: {  	_ =	strace $0x90000047  }
0x22d: {  	s0 =	stileid.u32;
	[bflag:$0x2] =	sbarrier.arrive $0xFFFF  }
0x22e: {  	p0 =	sne.s32 s0, $0x0;
	s0 =	rddreg [dreg:$0x3]  }
0x22f: {  	s0 =	sadd.s32 @!p0 $0x100000, s0  }
0x230: {  	[sflag:s0] =	ssyncadd.tile.s32 @!p0 $0x1;
	_ =	shalt  }
.Lfunc_end2:
_tile_overlayer_lowered:
.L_overlay_start_2:
0x231: {  	(tag) =	ssettag $0x2  }
0x232: {  	s0 =	rddreg [dreg:$0x0];
	s2 =	stileid.u32  }
0x233: {  	s1 =	rddreg [dreg:$0x1];
	p0 =	sne.s32 s2, $0x0  }
0x234: {  	s3 =	rddreg [dreg:$0x2];
	[bflag:$0x3] =	sbarrier.arrive $0xFFFF;
	s2 =	simm.s32 @!p0 $0x1C07  }
0x235: {  	[timem:s3], [sflag:s2] =	dma.local @!p0 [hbm:s0], s1  }
0x236: {  	s0 =	simm.s32 @!p0 $0x7  }
0x237: {  	_ =	swait.ge @!p0 [sflag:s0], s1  }
0x238: {  	s1 =	ssub.s32 @!p0 $0x0, s1;
	[sflag:s0] =	ssyncset.done @!p0 $0x0  }
0x239: {  	[sflag:s0] =	ssyncadd.s32 @!p0 s1  }
0x23a: {  	[bflag:$0x3] =	sbarrier.arrive $0xFFFF  }
0x23b: {  	_ =	shalt  }

</sc_bundles>
